<compile_context>
chip_gen: v7x
topology: tpu7x:2x2x1
jax: 0.10.2.dev20260603
libtpu: 0.0.44.dev20260713+nightly
codegen_flags: <defaults>
</compile_context>

<pallas_src>
import functools

import numpy as np
import jax
import jax.numpy as jnp
from jax import lax
from jax.experimental import pallas as pl
from jax.experimental.pallas import tpu as pltpu
from jax.experimental.pallas import tpu_sc as plsc

_PS, _N, _B, _C, _H, _W = 8, 256, 8, 3, 512, 512
_NT = 32
_PPT = (_B * _N) // _NT
_CPP = 48
_NDMA = (_PPT * _CPP) // 128
_V16 = (_B * _C * _H * _W) // 16
_NP = _C * _PS * _PS



def _np_threefry2x32(k1, k2, c1, c2):
    x0 = c1.astype(np.uint32)
    x1 = c2.astype(np.uint32)
    ks0 = np.uint32(k1)
    ks1 = np.uint32(k2)
    ks2 = np.uint32(ks0 ^ ks1 ^ np.uint32(0x1BD11BDA))
    ks = (ks0, ks1, ks2)
    rots = ((13, 15, 26, 6), (17, 29, 16, 24))
    x0 = x0 + ks0
    x1 = x1 + ks1
    for i in range(5):
        for r in rots[i % 2]:
            x0 = x0 + x1
            x1 = (x1 << np.uint32(r)) | (x1 >> np.uint32(32 - r))
            x1 = x1 ^ x0
        x0 = x0 + ks[(i + 1) % 3]
        x1 = x1 + ks[(i + 2) % 3] + np.uint32(i + 1)
    return x0, x1


def _np_split(key, num):
    b1, b2 = _np_threefry2x32(
        key[0], key[1], np.zeros(num, np.uint32), np.arange(num, dtype=np.uint32)
    )
    return [(b1[i], b2[i]) for i in range(num)]


def _np_random_bits(key, shape):
    size = int(np.prod(shape))
    b1, b2 = _np_threefry2x32(
        key[0], key[1], np.zeros(size, np.uint32), np.arange(size, dtype=np.uint32)
    )
    return (b1 ^ b2).reshape(shape)


def _np_randint(key, shape, minval, maxval):
    k1, k2 = _np_split(key, 2)
    hi_bits = _np_random_bits(k1, shape)
    lo_bits = _np_random_bits(k2, shape)
    span = np.uint32(maxval - minval)
    mult = np.uint32((((2 ** 16) % int(span)) ** 2) % int(span))
    off = ((hi_bits % span) * mult + (lo_bits % span)) % span
    return (np.int32(minval) + off.astype(np.int32)).astype(np.int32)


def _make_coords():
    ck = (np.uint32(0), np.uint32(1))
    k1, k2, k3, k4 = _np_split(ck, 4)
    hi = _H - _PS + 1
    return tuple(_np_randint(k, (_N, _B), 0, hi) for k in (k1, k2, k3, k4))


_GY, _GX, _TY, _TX = _make_coords()


def _gather_plan(ys, xs):
    p = np.arange(_B * _N)
    b, n = p // _N, p % _N
    y, x = ys[n, b].astype(np.int64), xs[n, b].astype(np.int64)
    k = np.arange(_CPP)
    r, which = k >> 1, k & 1
    c, dy = r >> 3, r & 7
    o = ((b[:, None] * 3 + c[None, :]) * _H + (y[:, None] + dy[None, :])) * _W + x[:, None]
    q = o >> 4
    phase = (x & 15).astype(np.int32)
    q = q + which[None, :] * (phase[:, None] > 8)
    idx = q.astype(np.int32).reshape(_NT, _NDMA, 128)
    ph = np.repeat(phase.reshape(_NT, _PPT), 16, axis=1)
    return idx, ph


_IDX_T, _PH_T = _gather_plan(_TY, _TX)



@functools.cache
def _build_sc():
    mesh = plsc.VectorSubcoreMesh(
        core_axis_name="c", subcore_axis_name="s", num_cores=2, num_subcores=16
    )
    return functools.partial(
        pl.kernel,
        out_type=jax.ShapeDtypeStruct((_NT, 2 * _PPT), jnp.float32),
        mesh=mesh,
        scratch_types=[
            pltpu.VMEM((_NDMA * 128, 16), jnp.float32),
            pltpu.VMEM((_NDMA, 128), jnp.int32),
            pltpu.VMEM((_PPT * 16,), jnp.int32),
            pltpu.VMEM((_PPT * 16,), jnp.float32),
            pltpu.VMEM((_PPT * 16,), jnp.float32),
            pltpu.VMEM((2 * _PPT,), jnp.float32),
            pltpu.SemaphoreType.DMA,
        ],
        compiler_params=pltpu.CompilerParams(
            needs_layout_passes=False, use_tc_tiling_on_sc=False
        ),
    )(_sc_stats)


def _sc_stats(tab, idx_hbm, ph_hbm, out_hbm,
              stag, idxv, phv_ref, accs, accq, outb, sem):
    wid = lax.axis_index("s") * 2 + lax.axis_index("c")
    iota = lax.broadcasted_iota(jnp.int32, (16,), 0)

    pltpu.sync_copy(idx_hbm.at[wid], idxv)
    pltpu.sync_copy(ph_hbm.at[wid], phv_ref)
    copies = [
        pltpu.async_copy(tab.at[idxv.at[j]], stag.at[pl.ds(j * 128, 128)], sem)
        for j in range(_NDMA)
    ]
    for cp in copies:
        cp.wait()

    def body(j, carry):
        phv = phv_ref[pl.ds(j * 16, 16)]
        m0 = (iota >= phv) & (iota < phv + 8)
        m1 = iota < phv - 8
        fbase = j * _CPP
        acc_s = jnp.zeros((16,), jnp.float32)
        acc_q = jnp.zeros((16,), jnp.float32)
        zero = jnp.zeros((16,), jnp.float32)
        for k in range(_CPP // 2):
            v0 = jnp.where(m0, stag[fbase + 2 * k], zero)
            v1 = jnp.where(m1, stag[fbase + 2 * k + 1], zero)
            acc_s = acc_s + v0 + v1
            acc_q = acc_q + v0 * v0 + v1 * v1
        accs[pl.ds(j * 16, 16)] = acc_s
        accq[pl.ds(j * 16, 16)] = acc_q
        return carry

    lax.fori_loop(0, _PPT, body, 0)

    base16 = jnp.left_shift(iota, 4)

    def grp_body(grp, carry):
        def red(acc):
            def red_body(i, tot):
                return tot + plsc.load_gather(acc, [base16 + (grp * 256 + i)])

            return lax.fori_loop(0, 16, red_body, jnp.zeros((16,), jnp.float32))

        ts, tq = red(accs), red(accq)
        tm = ts * (1.0 / float(_NP))
        tv = (tq - ts * tm) * (1.0 / float(_NP - 1))
        outb[pl.ds(grp * 16, 16)] = tm
        outb[pl.ds(_PPT + grp * 16, 16)] = tv
        return carry

    lax.fori_loop(0, _PPT // 16, grp_body, 0)
    pltpu.sync_copy(outb, out_hbm.at[wid])



def _tc_body(gen_ref, gy_ref, gx_ref, out_ref):
    c0 = gen_ref[0, 0]
    c1 = gen_ref[0, 1]
    c2 = gen_ref[0, 2]
    s = c0 + c1 + c2
    q = c0 * c0 + c1 * c1 + c2 * c2
    iot = jax.lax.broadcasted_iota(jnp.int32, (_N, _W), 1)
    yv = gy_ref[0, 0][:, None]
    xv = gx_ref[0, 0][:, None]
    oy = ((iot >= yv) & (iot < yv + _PS)).astype(jnp.bfloat16)
    ox = ((iot >= xv) & (iot < xv + _PS)).astype(jnp.float32)
    def band_sel(m):
        hi = m.astype(jnp.bfloat16)
        lo = (m - hi.astype(jnp.float32)).astype(jnp.bfloat16)
        return (
            jax.lax.dot(oy, hi, preferred_element_type=jnp.float32)
            + jax.lax.dot(oy, lo, preferred_element_type=jnp.float32)
        )

    psum = jnp.sum(band_sel(s) * ox, axis=1)
    psq = jnp.sum(band_sel(q) * ox, axis=1)
    n = float(_NP)
    mean = psum / n
    var = (psq - psum * psum / n) / (n - 1.0)
    out_ref[0, 0] = mean
    out_ref[0, 1] = var


def _relin_body(in_ref, out_ref):
    out_ref[...] = jnp.reshape(in_ref[...], (4096, 128))


def _tc_relin(target):
    tview = target.reshape(_B * _C * _H, _W)
    return pl.pallas_call(
        _relin_body,
        grid=(12,),
        in_specs=[pl.BlockSpec((1024, _W), lambda i: (i, 0))],
        out_specs=pl.BlockSpec((4096, 128), lambda i: (i, 0)),
        out_shape=jax.ShapeDtypeStruct((49152, 128), jnp.float32),
    )(tview)


def _tc_stats(generated):
    gy = jnp.asarray(_GY.T.reshape(_B, 1, _N))
    gx = jnp.asarray(_GX.T.reshape(_B, 1, _N))
    return pl.pallas_call(
        _tc_body,
        grid=(_B,),
        in_specs=[
            pl.BlockSpec((1, _C, _H, _W), lambda b: (b, 0, 0, 0)),
            pl.BlockSpec((1, 1, _N), lambda b: (b, 0, 0)),
            pl.BlockSpec((1, 1, _N), lambda b: (b, 0, 0)),
        ],
        out_specs=pl.BlockSpec((1, 2, _N), lambda b: (b, 0, 0)),
        out_shape=jax.ShapeDtypeStruct((_B, 2, _N), jnp.float32),
    )(generated, gy, gx)


def kernel(generated, target):
    ttab = _tc_relin(target).reshape(_V16, 16)
    sc_out = _build_sc()(ttab, _IDX_T, _PH_T)
    tc_out = _tc_stats(generated)
    gm, gv = tc_out[:, 0], tc_out[:, 1]
    tm = sc_out[:, :_PPT].reshape(_B, _N)
    tv = sc_out[:, _PPT:].reshape(_B, _N)
    return jnp.mean((gm - tm) ** 2) + jnp.mean((gv - tv) ** 2)

# --- scband reference (transcript-rebuilt; emitter-appended) ---
"""Pipeline reference for scband-texture-consistency-loss-3521873182816 (READ-ONLY COPY).

The authoritative reference and input builder live on the scoring server;
editing this copy changes nothing except your own understanding.
"""

import jax, jax.numpy as jnp
import numpy as np

PATCH_SIZE = 8
NUM_PATCHES = 256


def setup_inputs(seed: int = 0) -> dict:
    key = jax.random.key(seed)
    k1, k2 = jax.random.split(key)
    generated = jax.random.normal(k1, (8, 3, 512, 512), dtype=jnp.float32)
    target = jax.random.normal(k2, (8, 3, 512, 512), dtype=jnp.float32)
    return {"generated": generated, "target": target}


def _extract_patches(images, ys, xs):
    # images: (B, C, H, W); ys, xs: (NUM_PATCHES, B)
    C = images.shape[1]

    def one(img, y, x):
        return jax.lax.dynamic_slice(img, (0, y, x), (C, PATCH_SIZE, PATCH_SIZE))

    per_batch = jax.vmap(one, in_axes=(0, 0, 0))  # over batch
    per_patch = jax.vmap(lambda y, x: per_batch(images, y, x), in_axes=(0, 0))  # over patches
    patches = per_patch(ys, xs)  # (N, B, C, ps, ps)
    return jnp.transpose(patches, (1, 0, 2, 3, 4))  # (B, N, C, ps, ps)


def _stats(patches):
    B, N = patches.shape[0], patches.shape[1]
    flat = patches.reshape(B, N, -1)
    mean = flat.mean(axis=-1)
    var = jnp.var(flat, axis=-1, ddof=1)  # torch .var() is unbiased by default
    return mean, var


def reference(generated, target):
    B, C, H, W = generated.shape
    ck = jax.random.key(1)
    k1, k2, k3, k4 = jax.random.split(ck, 4)
    # Separate random coordinates for generated and target, matching two
    # independent extract_random_patches calls in the torch module.
    gy = jax.random.randint(k1, (NUM_PATCHES, B), 0, H - PATCH_SIZE + 1)
    gx = jax.random.randint(k2, (NUM_PATCHES, B), 0, W - PATCH_SIZE + 1)
    ty = jax.random.randint(k3, (NUM_PATCHES, B), 0, H - PATCH_SIZE + 1)
    tx = jax.random.randint(k4, (NUM_PATCHES, B), 0, W - PATCH_SIZE + 1)

    gen_p = _extract_patches(generated, gy, gx)
    tgt_p = _extract_patches(target, ty, tx)

    gm, gv = _stats(gen_p)
    tm, tv = _stats(tgt_p)

    mean_loss = jnp.mean((gm - tm) ** 2)
    var_loss = jnp.mean((gv - tv) ** 2)
    return mean_loss + var_loss

if __name__ == "__main__":
    import jax
    _d = setup_inputs()
    print(jax.jit(kernel)(*tuple(_d.values())))

</pallas_src>

<mosaic_0001>
#map = affine_map<(d0, d1) -> (0, 0)>
#map1 = affine_map<(d0, d1) -> (0, 0, 0)>
module attributes {stable_mosaic.version = 14 : i64} {
  func.func @_sc_stats(%arg0: i32, %arg1: i32, %arg2: memref<393216x16xf32, #tpu.memory_space<hbm>>, %arg3: memref<32x24x128xi32, #tpu.memory_space<hbm>>, %arg4: memref<32x1024xi32, #tpu.memory_space<hbm>>, %arg5: memref<32x128xf32, #tpu.memory_space<hbm>>, %arg6: memref<3072x16xf32, #tpu.memory_space<vmem>>, %arg7: memref<24x128xi32, #tpu.memory_space<vmem>>, %arg8: memref<1024xi32, #tpu.memory_space<vmem>>, %arg9: memref<1024xf32, #tpu.memory_space<vmem>>, %arg10: memref<1024xf32, #tpu.memory_space<vmem>>, %arg11: memref<128xf32, #tpu.memory_space<vmem>>, %arg12: memref<!tpu.dma_semaphore, #tpu.memory_space<semaphore_mem>>) attributes {dimension_semantics = [#tpu.dimension_semantics<core_parallel>, #tpu.dimension_semantics<subcore_parallel>], iteration_bounds = array<i64: 2, 16>, scalar_prefetch = 0 : i64, scratch_operands = 7 : i64, tpu.core_type = #tpu.core_type<sc_vector_subcore>, window_params = [{transform_indices = #map}, {transform_indices = #map1}, {transform_indices = #map}, {transform_indices = #map}]} {
    %mul3A = arith.constant 2 : i32
    %mul3A_0 = arith.muli %arg1, %mul3A : i32
    %add3A = arith.addi %mul3A_0, %arg0 : i32
    %iota3A = tpu.iota {dimensions = array<i32: 0>} : vector<16xi32>
    "tpu.region"() ({
      %run_scoped3A = tpu.sem_alloc : memref<!tpu.dma_semaphore, #tpu.memory_space<semaphore_mem>>
      %dma_start3A_492 = arith.constant 0 : i32
      %dma_start3A_493 = arith.constant 0 : i32
      %dma_start3A_494 = tpu.memref_slice %arg3[%add3A, %dma_start3A_492, %dma_start3A_493] : memref<32x24x128xi32, #tpu.memory_space<hbm>> -> memref<1x24x128xi32, #tpu.memory_space<hbm>>
      %dma_start3A_495 = tpu.memref_squeeze %dma_start3A_494 : memref<1x24x128xi32, #tpu.memory_space<hbm>> -> memref<24x128xi32, #tpu.memory_space<hbm>>
      %dma_start3A_496 = arith.constant 0 : i32
      %dma_start3A_497 = arith.constant 0 : i32
      %dma_start3A_498 = tpu.memref_slice %arg3[%add3A, %dma_start3A_496, %dma_start3A_497] : memref<32x24x128xi32, #tpu.memory_space<hbm>> -> memref<1x24x128xi32, #tpu.memory_space<hbm>>
      %dma_start3A_499 = tpu.memref_squeeze %dma_start3A_498 : memref<1x24x128xi32, #tpu.memory_space<hbm>> -> memref<24x128xi32, #tpu.memory_space<hbm>>
      tpu.enqueue_dma source(%dma_start3A_499 : memref<24x128xi32, #tpu.memory_space<hbm>>) target(%arg7 : memref<24x128xi32, #tpu.memory_space<vmem>>) target_semaphore(%run_scoped3A : memref<!tpu.dma_semaphore, #tpu.memory_space<semaphore_mem>>)
      %dma_wait3A_500 = arith.constant 0 : i32
      %dma_wait3A_501 = arith.constant 0 : i32
      %dma_wait3A_502 = tpu.memref_slice %arg3[%add3A, %dma_wait3A_500, %dma_wait3A_501] : memref<32x24x128xi32, #tpu.memory_space<hbm>> -> memref<1x24x128xi32, #tpu.memory_space<hbm>>
      %dma_wait3A_503 = tpu.memref_squeeze %dma_wait3A_502 : memref<1x24x128xi32, #tpu.memory_space<hbm>> -> memref<24x128xi32, #tpu.memory_space<hbm>>
      %dma_wait3A_504 = arith.constant 0 : i32
      %dma_wait3A_505 = arith.constant 0 : i32
      %dma_wait3A_506 = tpu.memref_slice %arg3[%add3A, %dma_wait3A_504, %dma_wait3A_505] : memref<32x24x128xi32, #tpu.memory_space<hbm>> -> memref<1x24x128xi32, #tpu.memory_space<hbm>>
      %dma_wait3A_507 = tpu.memref_squeeze %dma_wait3A_506 : memref<1x24x128xi32, #tpu.memory_space<hbm>> -> memref<24x128xi32, #tpu.memory_space<hbm>>
      tpu.wait_dma2 semaphore(%run_scoped3A : memref<!tpu.dma_semaphore, #tpu.memory_space<semaphore_mem>>) src(%dma_wait3A_507 : memref<24x128xi32, #tpu.memory_space<hbm>>) dst(%arg7 : memref<24x128xi32, #tpu.memory_space<vmem>>)
      tpu.yield
    }) : () -> ()
    "tpu.region"() ({
      %run_scoped3A = tpu.sem_alloc : memref<!tpu.dma_semaphore, #tpu.memory_space<semaphore_mem>>
      %dma_start3A_492 = arith.constant 0 : i32
      %dma_start3A_493 = tpu.memref_slice %arg4[%add3A, %dma_start3A_492] : memref<32x1024xi32, #tpu.memory_space<hbm>> -> memref<1x1024xi32, #tpu.memory_space<hbm>>
      %dma_start3A_494 = tpu.memref_squeeze %dma_start3A_493 : memref<1x1024xi32, #tpu.memory_space<hbm>> -> memref<1024xi32, #tpu.memory_space<hbm>>
      %dma_start3A_495 = arith.constant 0 : i32
      %dma_start3A_496 = tpu.memref_slice %arg4[%add3A, %dma_start3A_495] : memref<32x1024xi32, #tpu.memory_space<hbm>> -> memref<1x1024xi32, #tpu.memory_space<hbm>>
      %dma_start3A_497 = tpu.memref_squeeze %dma_start3A_496 : memref<1x1024xi32, #tpu.memory_space<hbm>> -> memref<1024xi32, #tpu.memory_space<hbm>>
      tpu.enqueue_dma source(%dma_start3A_497 : memref<1024xi32, #tpu.memory_space<hbm>>) target(%arg8 : memref<1024xi32, #tpu.memory_space<vmem>>) target_semaphore(%run_scoped3A : memref<!tpu.dma_semaphore, #tpu.memory_space<semaphore_mem>>)
      %dma_wait3A_498 = arith.constant 0 : i32
      %dma_wait3A_499 = tpu.memref_slice %arg4[%add3A, %dma_wait3A_498] : memref<32x1024xi32, #tpu.memory_space<hbm>> -> memref<1x1024xi32, #tpu.memory_space<hbm>>
      %dma_wait3A_500 = tpu.memref_squeeze %dma_wait3A_499 : memref<1x1024xi32, #tpu.memory_space<hbm>> -> memref<1024xi32, #tpu.memory_space<hbm>>
      %dma_wait3A_501 = arith.constant 0 : i32
      %dma_wait3A_502 = tpu.memref_slice %arg4[%add3A, %dma_wait3A_501] : memref<32x1024xi32, #tpu.memory_space<hbm>> -> memref<1x1024xi32, #tpu.memory_space<hbm>>
      %dma_wait3A_503 = tpu.memref_squeeze %dma_wait3A_502 : memref<1x1024xi32, #tpu.memory_space<hbm>> -> memref<1024xi32, #tpu.memory_space<hbm>>
      tpu.wait_dma2 semaphore(%run_scoped3A : memref<!tpu.dma_semaphore, #tpu.memory_space<semaphore_mem>>) src(%dma_wait3A_503 : memref<1024xi32, #tpu.memory_space<hbm>>) dst(%arg8 : memref<1024xi32, #tpu.memory_space<vmem>>)
      tpu.yield
    }) : () -> ()
    %dma_start3A = arith.constant 0 : i32
    %dma_start3A_1 = arith.constant 0 : i32
    %dma_start3A_2 = arith.constant 0 : i32
    %dma_start3A_3 = tpu.memref_slice %arg6[%dma_start3A_1, %dma_start3A_2] : memref<3072x16xf32, #tpu.memory_space<vmem>> -> memref<128x16xf32, #tpu.memory_space<vmem>>
    %dma_start3A_4 = arith.constant 0 : i32
    %dma_start3A_5 = tpu.memref_slice %arg7[%dma_start3A, %dma_start3A_4] : memref<24x128xi32, #tpu.memory_space<vmem>> -> memref<1x128xi32, #tpu.memory_space<vmem>>
    %dma_start3A_6 = tpu.memref_squeeze %dma_start3A_5 : memref<1x128xi32, #tpu.memory_space<vmem>> -> memref<128xi32, #tpu.memory_space<vmem>>
    %dma_start3A_7 = arith.constant 0 : i32
    %dma_start3A_8 = arith.constant 0 : i32
    %dma_start3A_9 = tpu.memref_slice %arg2[%dma_start3A_7, %dma_start3A_8] : memref<393216x16xf32, #tpu.memory_space<hbm>> -> memref<393216x16xf32, #tpu.memory_space<hbm>>
    tpu.enqueue_indirect_dma source(%dma_start3A_9 : memref<393216x16xf32, #tpu.memory_space<hbm>>) target(%dma_start3A_3 : memref<128x16xf32, #tpu.memory_space<vmem>>) offsets(%dma_start3A_6 : memref<128xi32, #tpu.memory_space<vmem>>) semaphore(%arg12 : memref<!tpu.dma_semaphore, #tpu.memory_space<semaphore_mem>>)
    %dma_start3A_10 = arith.constant 1 : i32
    %dma_start3A_11 = arith.constant 128 : i32
    %dma_start3A_12 = arith.constant 0 : i32
    %dma_start3A_13 = tpu.memref_slice %arg6[%dma_start3A_11, %dma_start3A_12] : memref<3072x16xf32, #tpu.memory_space<vmem>> -> memref<128x16xf32, #tpu.memory_space<vmem>>
    %dma_start3A_14 = arith.constant 0 : i32
    %dma_start3A_15 = tpu.memref_slice %arg7[%dma_start3A_10, %dma_start3A_14] : memref<24x128xi32, #tpu.memory_space<vmem>> -> memref<1x128xi32, #tpu.memory_space<vmem>>
    %dma_start3A_16 = tpu.memref_squeeze %dma_start3A_15 : memref<1x128xi32, #tpu.memory_space<vmem>> -> memref<128xi32, #tpu.memory_space<vmem>>
    %dma_start3A_17 = arith.constant 0 : i32
    %dma_start3A_18 = arith.constant 0 : i32
    %dma_start3A_19 = tpu.memref_slice %arg2[%dma_start3A_17, %dma_start3A_18] : memref<393216x16xf32, #tpu.memory_space<hbm>> -> memref<393216x16xf32, #tpu.memory_space<hbm>>
    tpu.enqueue_indirect_dma source(%dma_start3A_19 : memref<393216x16xf32, #tpu.memory_space<hbm>>) target(%dma_start3A_13 : memref<128x16xf32, #tpu.memory_space<vmem>>) offsets(%dma_start3A_16 : memref<128xi32, #tpu.memory_space<vmem>>) semaphore(%arg12 : memref<!tpu.dma_semaphore, #tpu.memory_space<semaphore_mem>>)
    %dma_start3A_20 = arith.constant 2 : i32
    %dma_start3A_21 = arith.constant 256 : i32
    %dma_start3A_22 = arith.constant 0 : i32
    %dma_start3A_23 = tpu.memref_slice %arg6[%dma_start3A_21, %dma_start3A_22] : memref<3072x16xf32, #tpu.memory_space<vmem>> -> memref<128x16xf32, #tpu.memory_space<vmem>>
    %dma_start3A_24 = arith.constant 0 : i32
    %dma_start3A_25 = tpu.memref_slice %arg7[%dma_start3A_20, %dma_start3A_24] : memref<24x128xi32, #tpu.memory_space<vmem>> -> memref<1x128xi32, #tpu.memory_space<vmem>>
    %dma_start3A_26 = tpu.memref_squeeze %dma_start3A_25 : memref<1x128xi32, #tpu.memory_space<vmem>> -> memref<128xi32, #tpu.memory_space<vmem>>
    %dma_start3A_27 = arith.constant 0 : i32
    %dma_start3A_28 = arith.constant 0 : i32
    %dma_start3A_29 = tpu.memref_slice %arg2[%dma_start3A_27, %dma_start3A_28] : memref<393216x16xf32, #tpu.memory_space<hbm>> -> memref<393216x16xf32, #tpu.memory_space<hbm>>
    tpu.enqueue_indirect_dma source(%dma_start3A_29 : memref<393216x16xf32, #tpu.memory_space<hbm>>) target(%dma_start3A_23 : memref<128x16xf32, #tpu.memory_space<vmem>>) offsets(%dma_start3A_26 : memref<128xi32, #tpu.memory_space<vmem>>) semaphore(%arg12 : memref<!tpu.dma_semaphore, #tpu.memory_space<semaphore_mem>>)
    %dma_start3A_30 = arith.constant 3 : i32
    %dma_start3A_31 = arith.constant 384 : i32
    %dma_start3A_32 = arith.constant 0 : i32
    %dma_start3A_33 = tpu.memref_slice %arg6[%dma_start3A_31, %dma_start3A_32] : memref<3072x16xf32, #tpu.memory_space<vmem>> -> memref<128x16xf32, #tpu.memory_space<vmem>>
    %dma_start3A_34 = arith.constant 0 : i32
    %dma_start3A_35 = tpu.memref_slice %arg7[%dma_start3A_30, %dma_start3A_34] : memref<24x128xi32, #tpu.memory_space<vmem>> -> memref<1x128xi32, #tpu.memory_space<vmem>>
    %dma_start3A_36 = tpu.memref_squeeze %dma_start3A_35 : memref<1x128xi32, #tpu.memory_space<vmem>> -> memref<128xi32, #tpu.memory_space<vmem>>
    %dma_start3A_37 = arith.constant 0 : i32
    %dma_start3A_38 = arith.constant 0 : i32
    %dma_start3A_39 = tpu.memref_slice %arg2[%dma_start3A_37, %dma_start3A_38] : memref<393216x16xf32, #tpu.memory_space<hbm>> -> memref<393216x16xf32, #tpu.memory_space<hbm>>
    tpu.enqueue_indirect_dma source(%dma_start3A_39 : memref<393216x16xf32, #tpu.memory_space<hbm>>) target(%dma_start3A_33 : memref<128x16xf32, #tpu.memory_space<vmem>>) offsets(%dma_start3A_36 : memref<128xi32, #tpu.memory_space<vmem>>) semaphore(%arg12 : memref<!tpu.dma_semaphore, #tpu.memory_space<semaphore_mem>>)
    %dma_start3A_40 = arith.constant 4 : i32
    %dma_start3A_41 = arith.constant 512 : i32
    %dma_start3A_42 = arith.constant 0 : i32
    %dma_start3A_43 = tpu.memref_slice %arg6[%dma_start3A_41, %dma_start3A_42] : memref<3072x16xf32, #tpu.memory_space<vmem>> -> memref<128x16xf32, #tpu.memory_space<vmem>>
    %dma_start3A_44 = arith.constant 0 : i32
    %dma_start3A_45 = tpu.memref_slice %arg7[%dma_start3A_40, %dma_start3A_44] : memref<24x128xi32, #tpu.memory_space<vmem>> -> memref<1x128xi32, #tpu.memory_space<vmem>>
    %dma_start3A_46 = tpu.memref_squeeze %dma_start3A_45 : memref<1x128xi32, #tpu.memory_space<vmem>> -> memref<128xi32, #tpu.memory_space<vmem>>
    %dma_start3A_47 = arith.constant 0 : i32
    %dma_start3A_48 = arith.constant 0 : i32
    %dma_start3A_49 = tpu.memref_slice %arg2[%dma_start3A_47, %dma_start3A_48] : memref<393216x16xf32, #tpu.memory_space<hbm>> -> memref<393216x16xf32, #tpu.memory_space<hbm>>
    tpu.enqueue_indirect_dma source(%dma_start3A_49 : memref<393216x16xf32, #tpu.memory_space<hbm>>) target(%dma_start3A_43 : memref<128x16xf32, #tpu.memory_space<vmem>>) offsets(%dma_start3A_46 : memref<128xi32, #tpu.memory_space<vmem>>) semaphore(%arg12 : memref<!tpu.dma_semaphore, #tpu.memory_space<semaphore_mem>>)
    %dma_start3A_50 = arith.constant 5 : i32
    %dma_start3A_51 = arith.constant 640 : i32
    %dma_start3A_52 = arith.constant 0 : i32
    %dma_start3A_53 = tpu.memref_slice %arg6[%dma_start3A_51, %dma_start3A_52] : memref<3072x16xf32, #tpu.memory_space<vmem>> -> memref<128x16xf32, #tpu.memory_space<vmem>>
    %dma_start3A_54 = arith.constant 0 : i32
    %dma_start3A_55 = tpu.memref_slice %arg7[%dma_start3A_50, %dma_start3A_54] : memref<24x128xi32, #tpu.memory_space<vmem>> -> memref<1x128xi32, #tpu.memory_space<vmem>>
    %dma_start3A_56 = tpu.memref_squeeze %dma_start3A_55 : memref<1x128xi32, #tpu.memory_space<vmem>> -> memref<128xi32, #tpu.memory_space<vmem>>
    %dma_start3A_57 = arith.constant 0 : i32
    %dma_start3A_58 = arith.constant 0 : i32
    %dma_start3A_59 = tpu.memref_slice %arg2[%dma_start3A_57, %dma_start3A_58] : memref<393216x16xf32, #tpu.memory_space<hbm>> -> memref<393216x16xf32, #tpu.memory_space<hbm>>
    tpu.enqueue_indirect_dma source(%dma_start3A_59 : memref<393216x16xf32, #tpu.memory_space<hbm>>) target(%dma_start3A_53 : memref<128x16xf32, #tpu.memory_space<vmem>>) offsets(%dma_start3A_56 : memref<128xi32, #tpu.memory_space<vmem>>) semaphore(%arg12 : memref<!tpu.dma_semaphore, #tpu.memory_space<semaphore_mem>>)
    %dma_start3A_60 = arith.constant 6 : i32
    %dma_start3A_61 = arith.constant 768 : i32
    %dma_start3A_62 = arith.constant 0 : i32
    %dma_start3A_63 = tpu.memref_slice %arg6[%dma_start3A_61, %dma_start3A_62] : memref<3072x16xf32, #tpu.memory_space<vmem>> -> memref<128x16xf32, #tpu.memory_space<vmem>>
    %dma_start3A_64 = arith.constant 0 : i32
    %dma_start3A_65 = tpu.memref_slice %arg7[%dma_start3A_60, %dma_start3A_64] : memref<24x128xi32, #tpu.memory_space<vmem>> -> memref<1x128xi32, #tpu.memory_space<vmem>>
    %dma_start3A_66 = tpu.memref_squeeze %dma_start3A_65 : memref<1x128xi32, #tpu.memory_space<vmem>> -> memref<128xi32, #tpu.memory_space<vmem>>
    %dma_start3A_67 = arith.constant 0 : i32
    %dma_start3A_68 = arith.constant 0 : i32
    %dma_start3A_69 = tpu.memref_slice %arg2[%dma_start3A_67, %dma_start3A_68] : memref<393216x16xf32, #tpu.memory_space<hbm>> -> memref<393216x16xf32, #tpu.memory_space<hbm>>
    tpu.enqueue_indirect_dma source(%dma_start3A_69 : memref<393216x16xf32, #tpu.memory_space<hbm>>) target(%dma_start3A_63 : memref<128x16xf32, #tpu.memory_space<vmem>>) offsets(%dma_start3A_66 : memref<128xi32, #tpu.memory_space<vmem>>) semaphore(%arg12 : memref<!tpu.dma_semaphore, #tpu.memory_space<semaphore_mem>>)
    %dma_start3A_70 = arith.constant 7 : i32
    %dma_start3A_71 = arith.constant 896 : i32
    %dma_start3A_72 = arith.constant 0 : i32
    %dma_start3A_73 = tpu.memref_slice %arg6[%dma_start3A_71, %dma_start3A_72] : memref<3072x16xf32, #tpu.memory_space<vmem>> -> memref<128x16xf32, #tpu.memory_space<vmem>>
    %dma_start3A_74 = arith.constant 0 : i32
    %dma_start3A_75 = tpu.memref_slice %arg7[%dma_start3A_70, %dma_start3A_74] : memref<24x128xi32, #tpu.memory_space<vmem>> -> memref<1x128xi32, #tpu.memory_space<vmem>>
    %dma_start3A_76 = tpu.memref_squeeze %dma_start3A_75 : memref<1x128xi32, #tpu.memory_space<vmem>> -> memref<128xi32, #tpu.memory_space<vmem>>
    %dma_start3A_77 = arith.constant 0 : i32
    %dma_start3A_78 = arith.constant 0 : i32
    %dma_start3A_79 = tpu.memref_slice %arg2[%dma_start3A_77, %dma_start3A_78] : memref<393216x16xf32, #tpu.memory_space<hbm>> -> memref<393216x16xf32, #tpu.memory_space<hbm>>
    tpu.enqueue_indirect_dma source(%dma_start3A_79 : memref<393216x16xf32, #tpu.memory_space<hbm>>) target(%dma_start3A_73 : memref<128x16xf32, #tpu.memory_space<vmem>>) offsets(%dma_start3A_76 : memref<128xi32, #tpu.memory_space<vmem>>) semaphore(%arg12 : memref<!tpu.dma_semaphore, #tpu.memory_space<semaphore_mem>>)
    %dma_start3A_80 = arith.constant 8 : i32
    %dma_start3A_81 = arith.constant 1024 : i32
    %dma_start3A_82 = arith.constant 0 : i32
    %dma_start3A_83 = tpu.memref_slice %arg6[%dma_start3A_81, %dma_start3A_82] : memref<3072x16xf32, #tpu.memory_space<vmem>> -> memref<128x16xf32, #tpu.memory_space<vmem>>
    %dma_start3A_84 = arith.constant 0 : i32
    %dma_start3A_85 = tpu.memref_slice %arg7[%dma_start3A_80, %dma_start3A_84] : memref<24x128xi32, #tpu.memory_space<vmem>> -> memref<1x128xi32, #tpu.memory_space<vmem>>
    %dma_start3A_86 = tpu.memref_squeeze %dma_start3A_85 : memref<1x128xi32, #tpu.memory_space<vmem>> -> memref<128xi32, #tpu.memory_space<vmem>>
    %dma_start3A_87 = arith.constant 0 : i32
    %dma_start3A_88 = arith.constant 0 : i32
    %dma_start3A_89 = tpu.memref_slice %arg2[%dma_start3A_87, %dma_start3A_88] : memref<393216x16xf32, #tpu.memory_space<hbm>> -> memref<393216x16xf32, #tpu.memory_space<hbm>>
    tpu.enqueue_indirect_dma source(%dma_start3A_89 : memref<393216x16xf32, #tpu.memory_space<hbm>>) target(%dma_start3A_83 : memref<128x16xf32, #tpu.memory_space<vmem>>) offsets(%dma_start3A_86 : memref<128xi32, #tpu.memory_space<vmem>>) semaphore(%arg12 : memref<!tpu.dma_semaphore, #tpu.memory_space<semaphore_mem>>)
    %dma_start3A_90 = arith.constant 9 : i32
    %dma_start3A_91 = arith.constant 1152 : i32
    %dma_start3A_92 = arith.constant 0 : i32
    %dma_start3A_93 = tpu.memref_slice %arg6[%dma_start3A_91, %dma_start3A_92] : memref<3072x16xf32, #tpu.memory_space<vmem>> -> memref<128x16xf32, #tpu.memory_space<vmem>>
    %dma_start3A_94 = arith.constant 0 : i32
    %dma_start3A_95 = tpu.memref_slice %arg7[%dma_start3A_90, %dma_start3A_94] : memref<24x128xi32, #tpu.memory_space<vmem>> -> memref<1x128xi32, #tpu.memory_space<vmem>>
    %dma_start3A_96 = tpu.memref_squeeze %dma_start3A_95 : memref<1x128xi32, #tpu.memory_space<vmem>> -> memref<128xi32, #tpu.memory_space<vmem>>
    %dma_start3A_97 = arith.constant 0 : i32
    %dma_start3A_98 = arith.constant 0 : i32
    %dma_start3A_99 = tpu.memref_slice %arg2[%dma_start3A_97, %dma_start3A_98] : memref<393216x16xf32, #tpu.memory_space<hbm>> -> memref<393216x16xf32, #tpu.memory_space<hbm>>
    tpu.enqueue_indirect_dma source(%dma_start3A_99 : memref<393216x16xf32, #tpu.memory_space<hbm>>) target(%dma_start3A_93 : memref<128x16xf32, #tpu.memory_space<vmem>>) offsets(%dma_start3A_96 : memref<128xi32, #tpu.memory_space<vmem>>) semaphore(%arg12 : memref<!tpu.dma_semaphore, #tpu.memory_space<semaphore_mem>>)
    %dma_start3A_100 = arith.constant 10 : i32
    %dma_start3A_101 = arith.constant 1280 : i32
    %dma_start3A_102 = arith.constant 0 : i32
    %dma_start3A_103 = tpu.memref_slice %arg6[%dma_start3A_101, %dma_start3A_102] : memref<3072x16xf32, #tpu.memory_space<vmem>> -> memref<128x16xf32, #tpu.memory_space<vmem>>
    %dma_start3A_104 = arith.constant 0 : i32
    %dma_start3A_105 = tpu.memref_slice %arg7[%dma_start3A_100, %dma_start3A_104] : memref<24x128xi32, #tpu.memory_space<vmem>> -> memref<1x128xi32, #tpu.memory_space<vmem>>
    %dma_start3A_106 = tpu.memref_squeeze %dma_start3A_105 : memref<1x128xi32, #tpu.memory_space<vmem>> -> memref<128xi32, #tpu.memory_space<vmem>>
    %dma_start3A_107 = arith.constant 0 : i32
    %dma_start3A_108 = arith.constant 0 : i32
    %dma_start3A_109 = tpu.memref_slice %arg2[%dma_start3A_107, %dma_start3A_108] : memref<393216x16xf32, #tpu.memory_space<hbm>> -> memref<393216x16xf32, #tpu.memory_space<hbm>>
    tpu.enqueue_indirect_dma source(%dma_start3A_109 : memref<393216x16xf32, #tpu.memory_space<hbm>>) target(%dma_start3A_103 : memref<128x16xf32, #tpu.memory_space<vmem>>) offsets(%dma_start3A_106 : memref<128xi32, #tpu.memory_space<vmem>>) semaphore(%arg12 : memref<!tpu.dma_semaphore, #tpu.memory_space<semaphore_mem>>)
    %dma_start3A_110 = arith.constant 11 : i32
    %dma_start3A_111 = arith.constant 1408 : i32
    %dma_start3A_112 = arith.constant 0 : i32
    %dma_start3A_113 = tpu.memref_slice %arg6[%dma_start3A_111, %dma_start3A_112] : memref<3072x16xf32, #tpu.memory_space<vmem>> -> memref<128x16xf32, #tpu.memory_space<vmem>>
    %dma_start3A_114 = arith.constant 0 : i32
    %dma_start3A_115 = tpu.memref_slice %arg7[%dma_start3A_110, %dma_start3A_114] : memref<24x128xi32, #tpu.memory_space<vmem>> -> memref<1x128xi32, #tpu.memory_space<vmem>>
    %dma_start3A_116 = tpu.memref_squeeze %dma_start3A_115 : memref<1x128xi32, #tpu.memory_space<vmem>> -> memref<128xi32, #tpu.memory_space<vmem>>
    %dma_start3A_117 = arith.constant 0 : i32
    %dma_start3A_118 = arith.constant 0 : i32
    %dma_start3A_119 = tpu.memref_slice %arg2[%dma_start3A_117, %dma_start3A_118] : memref<393216x16xf32, #tpu.memory_space<hbm>> -> memref<393216x16xf32, #tpu.memory_space<hbm>>
    tpu.enqueue_indirect_dma source(%dma_start3A_119 : memref<393216x16xf32, #tpu.memory_space<hbm>>) target(%dma_start3A_113 : memref<128x16xf32, #tpu.memory_space<vmem>>) offsets(%dma_start3A_116 : memref<128xi32, #tpu.memory_space<vmem>>) semaphore(%arg12 : memref<!tpu.dma_semaphore, #tpu.memory_space<semaphore_mem>>)
    %dma_start3A_120 = arith.constant 12 : i32
    %dma_start3A_121 = arith.constant 1536 : i32
    %dma_start3A_122 = arith.constant 0 : i32
    %dma_start3A_123 = tpu.memref_slice %arg6[%dma_start3A_121, %dma_start3A_122] : memref<3072x16xf32, #tpu.memory_space<vmem>> -> memref<128x16xf32, #tpu.memory_space<vmem>>
    %dma_start3A_124 = arith.constant 0 : i32
    %dma_start3A_125 = tpu.memref_slice %arg7[%dma_start3A_120, %dma_start3A_124] : memref<24x128xi32, #tpu.memory_space<vmem>> -> memref<1x128xi32, #tpu.memory_space<vmem>>
    %dma_start3A_126 = tpu.memref_squeeze %dma_start3A_125 : memref<1x128xi32, #tpu.memory_space<vmem>> -> memref<128xi32, #tpu.memory_space<vmem>>
    %dma_start3A_127 = arith.constant 0 : i32
    %dma_start3A_128 = arith.constant 0 : i32
    %dma_start3A_129 = tpu.memref_slice %arg2[%dma_start3A_127, %dma_start3A_128] : memref<393216x16xf32, #tpu.memory_space<hbm>> -> memref<393216x16xf32, #tpu.memory_space<hbm>>
    tpu.enqueue_indirect_dma source(%dma_start3A_129 : memref<393216x16xf32, #tpu.memory_space<hbm>>) target(%dma_start3A_123 : memref<128x16xf32, #tpu.memory_space<vmem>>) offsets(%dma_start3A_126 : memref<128xi32, #tpu.memory_space<vmem>>) semaphore(%arg12 : memref<!tpu.dma_semaphore, #tpu.memory_space<semaphore_mem>>)
    %dma_start3A_130 = arith.constant 13 : i32
    %dma_start3A_131 = arith.constant 1664 : i32
    %dma_start3A_132 = arith.constant 0 : i32
    %dma_start3A_133 = tpu.memref_slice %arg6[%dma_start3A_131, %dma_start3A_132] : memref<3072x16xf32, #tpu.memory_space<vmem>> -> memref<128x16xf32, #tpu.memory_space<vmem>>
    %dma_start3A_134 = arith.constant 0 : i32
    %dma_start3A_135 = tpu.memref_slice %arg7[%dma_start3A_130, %dma_start3A_134] : memref<24x128xi32, #tpu.memory_space<vmem>> -> memref<1x128xi32, #tpu.memory_space<vmem>>
    %dma_start3A_136 = tpu.memref_squeeze %dma_start3A_135 : memref<1x128xi32, #tpu.memory_space<vmem>> -> memref<128xi32, #tpu.memory_space<vmem>>
    %dma_start3A_137 = arith.constant 0 : i32
    %dma_start3A_138 = arith.constant 0 : i32
    %dma_start3A_139 = tpu.memref_slice %arg2[%dma_start3A_137, %dma_start3A_138] : memref<393216x16xf32, #tpu.memory_space<hbm>> -> memref<393216x16xf32, #tpu.memory_space<hbm>>
    tpu.enqueue_indirect_dma source(%dma_start3A_139 : memref<393216x16xf32, #tpu.memory_space<hbm>>) target(%dma_start3A_133 : memref<128x16xf32, #tpu.memory_space<vmem>>) offsets(%dma_start3A_136 : memref<128xi32, #tpu.memory_space<vmem>>) semaphore(%arg12 : memref<!tpu.dma_semaphore, #tpu.memory_space<semaphore_mem>>)
    %dma_start3A_140 = arith.constant 14 : i32
    %dma_start3A_141 = arith.constant 1792 : i32
    %dma_start3A_142 = arith.constant 0 : i32
    %dma_start3A_143 = tpu.memref_slice %arg6[%dma_start3A_141, %dma_start3A_142] : memref<3072x16xf32, #tpu.memory_space<vmem>> -> memref<128x16xf32, #tpu.memory_space<vmem>>
    %dma_start3A_144 = arith.constant 0 : i32
    %dma_start3A_145 = tpu.memref_slice %arg7[%dma_start3A_140, %dma_start3A_144] : memref<24x128xi32, #tpu.memory_space<vmem>> -> memref<1x128xi32, #tpu.memory_space<vmem>>
    %dma_start3A_146 = tpu.memref_squeeze %dma_start3A_145 : memref<1x128xi32, #tpu.memory_space<vmem>> -> memref<128xi32, #tpu.memory_space<vmem>>
    %dma_start3A_147 = arith.constant 0 : i32
    %dma_start3A_148 = arith.constant 0 : i32
    %dma_start3A_149 = tpu.memref_slice %arg2[%dma_start3A_147, %dma_start3A_148] : memref<393216x16xf32, #tpu.memory_space<hbm>> -> memref<393216x16xf32, #tpu.memory_space<hbm>>
    tpu.enqueue_indirect_dma source(%dma_start3A_149 : memref<393216x16xf32, #tpu.memory_space<hbm>>) target(%dma_start3A_143 : memref<128x16xf32, #tpu.memory_space<vmem>>) offsets(%dma_start3A_146 : memref<128xi32, #tpu.memory_space<vmem>>) semaphore(%arg12 : memref<!tpu.dma_semaphore, #tpu.memory_space<semaphore_mem>>)
    %dma_start3A_150 = arith.constant 15 : i32
    %dma_start3A_151 = arith.constant 1920 : i32
    %dma_start3A_152 = arith.constant 0 : i32
    %dma_start3A_153 = tpu.memref_slice %arg6[%dma_start3A_151, %dma_start3A_152] : memref<3072x16xf32, #tpu.memory_space<vmem>> -> memref<128x16xf32, #tpu.memory_space<vmem>>
    %dma_start3A_154 = arith.constant 0 : i32
    %dma_start3A_155 = tpu.memref_slice %arg7[%dma_start3A_150, %dma_start3A_154] : memref<24x128xi32, #tpu.memory_space<vmem>> -> memref<1x128xi32, #tpu.memory_space<vmem>>
    %dma_start3A_156 = tpu.memref_squeeze %dma_start3A_155 : memref<1x128xi32, #tpu.memory_space<vmem>> -> memref<128xi32, #tpu.memory_space<vmem>>
    %dma_start3A_157 = arith.constant 0 : i32
    %dma_start3A_158 = arith.constant 0 : i32
    %dma_start3A_159 = tpu.memref_slice %arg2[%dma_start3A_157, %dma_start3A_158] : memref<393216x16xf32, #tpu.memory_space<hbm>> -> memref<393216x16xf32, #tpu.memory_space<hbm>>
    tpu.enqueue_indirect_dma source(%dma_start3A_159 : memref<393216x16xf32, #tpu.memory_space<hbm>>) target(%dma_start3A_153 : memref<128x16xf32, #tpu.memory_space<vmem>>) offsets(%dma_start3A_156 : memref<128xi32, #tpu.memory_space<vmem>>) semaphore(%arg12 : memref<!tpu.dma_semaphore, #tpu.memory_space<semaphore_mem>>)
    %dma_start3A_160 = arith.constant 16 : i32
    %dma_start3A_161 = arith.constant 2048 : i32
    %dma_start3A_162 = arith.constant 0 : i32
    %dma_start3A_163 = tpu.memref_slice %arg6[%dma_start3A_161, %dma_start3A_162] : memref<3072x16xf32, #tpu.memory_space<vmem>> -> memref<128x16xf32, #tpu.memory_space<vmem>>
    %dma_start3A_164 = arith.constant 0 : i32
    %dma_start3A_165 = tpu.memref_slice %arg7[%dma_start3A_160, %dma_start3A_164] : memref<24x128xi32, #tpu.memory_space<vmem>> -> memref<1x128xi32, #tpu.memory_space<vmem>>
    %dma_start3A_166 = tpu.memref_squeeze %dma_start3A_165 : memref<1x128xi32, #tpu.memory_space<vmem>> -> memref<128xi32, #tpu.memory_space<vmem>>
    %dma_start3A_167 = arith.constant 0 : i32
    %dma_start3A_168 = arith.constant 0 : i32
    %dma_start3A_169 = tpu.memref_slice %arg2[%dma_start3A_167, %dma_start3A_168] : memref<393216x16xf32, #tpu.memory_space<hbm>> -> memref<393216x16xf32, #tpu.memory_space<hbm>>
    tpu.enqueue_indirect_dma source(%dma_start3A_169 : memref<393216x16xf32, #tpu.memory_space<hbm>>) target(%dma_start3A_163 : memref<128x16xf32, #tpu.memory_space<vmem>>) offsets(%dma_start3A_166 : memref<128xi32, #tpu.memory_space<vmem>>) semaphore(%arg12 : memref<!tpu.dma_semaphore, #tpu.memory_space<semaphore_mem>>)
    %dma_start3A_170 = arith.constant 17 : i32
    %dma_start3A_171 = arith.constant 2176 : i32
    %dma_start3A_172 = arith.constant 0 : i32
    %dma_start3A_173 = tpu.memref_slice %arg6[%dma_start3A_171, %dma_start3A_172] : memref<3072x16xf32, #tpu.memory_space<vmem>> -> memref<128x16xf32, #tpu.memory_space<vmem>>
    %dma_start3A_174 = arith.constant 0 : i32
    %dma_start3A_175 = tpu.memref_slice %arg7[%dma_start3A_170, %dma_start3A_174] : memref<24x128xi32, #tpu.memory_space<vmem>> -> memref<1x128xi32, #tpu.memory_space<vmem>>
    %dma_start3A_176 = tpu.memref_squeeze %dma_start3A_175 : memref<1x128xi32, #tpu.memory_space<vmem>> -> memref<128xi32, #tpu.memory_space<vmem>>
    %dma_start3A_177 = arith.constant 0 : i32
    %dma_start3A_178 = arith.constant 0 : i32
    %dma_start3A_179 = tpu.memref_slice %arg2[%dma_start3A_177, %dma_start3A_178] : memref<393216x16xf32, #tpu.memory_space<hbm>> -> memref<393216x16xf32, #tpu.memory_space<hbm>>
    tpu.enqueue_indirect_dma source(%dma_start3A_179 : memref<393216x16xf32, #tpu.memory_space<hbm>>) target(%dma_start3A_173 : memref<128x16xf32, #tpu.memory_space<vmem>>) offsets(%dma_start3A_176 : memref<128xi32, #tpu.memory_space<vmem>>) semaphore(%arg12 : memref<!tpu.dma_semaphore, #tpu.memory_space<semaphore_mem>>)
    %dma_start3A_180 = arith.constant 18 : i32
    %dma_start3A_181 = arith.constant 2304 : i32
    %dma_start3A_182 = arith.constant 0 : i32
    %dma_start3A_183 = tpu.memref_slice %arg6[%dma_start3A_181, %dma_start3A_182] : memref<3072x16xf32, #tpu.memory_space<vmem>> -> memref<128x16xf32, #tpu.memory_space<vmem>>
    %dma_start3A_184 = arith.constant 0 : i32
    %dma_start3A_185 = tpu.memref_slice %arg7[%dma_start3A_180, %dma_start3A_184] : memref<24x128xi32, #tpu.memory_space<vmem>> -> memref<1x128xi32, #tpu.memory_space<vmem>>
    %dma_start3A_186 = tpu.memref_squeeze %dma_start3A_185 : memref<1x128xi32, #tpu.memory_space<vmem>> -> memref<128xi32, #tpu.memory_space<vmem>>
    %dma_start3A_187 = arith.constant 0 : i32
    %dma_start3A_188 = arith.constant 0 : i32
    %dma_start3A_189 = tpu.memref_slice %arg2[%dma_start3A_187, %dma_start3A_188] : memref<393216x16xf32, #tpu.memory_space<hbm>> -> memref<393216x16xf32, #tpu.memory_space<hbm>>
    tpu.enqueue_indirect_dma source(%dma_start3A_189 : memref<393216x16xf32, #tpu.memory_space<hbm>>) target(%dma_start3A_183 : memref<128x16xf32, #tpu.memory_space<vmem>>) offsets(%dma_start3A_186 : memref<128xi32, #tpu.memory_space<vmem>>) semaphore(%arg12 : memref<!tpu.dma_semaphore, #tpu.memory_space<semaphore_mem>>)
    %dma_start3A_190 = arith.constant 19 : i32
    %dma_start3A_191 = arith.constant 2432 : i32
    %dma_start3A_192 = arith.constant 0 : i32
    %dma_start3A_193 = tpu.memref_slice %arg6[%dma_start3A_191, %dma_start3A_192] : memref<3072x16xf32, #tpu.memory_space<vmem>> -> memref<128x16xf32, #tpu.memory_space<vmem>>
    %dma_start3A_194 = arith.constant 0 : i32
    %dma_start3A_195 = tpu.memref_slice %arg7[%dma_start3A_190, %dma_start3A_194] : memref<24x128xi32, #tpu.memory_space<vmem>> -> memref<1x128xi32, #tpu.memory_space<vmem>>
    %dma_start3A_196 = tpu.memref_squeeze %dma_start3A_195 : memref<1x128xi32, #tpu.memory_space<vmem>> -> memref<128xi32, #tpu.memory_space<vmem>>
    %dma_start3A_197 = arith.constant 0 : i32
    %dma_start3A_198 = arith.constant 0 : i32
    %dma_start3A_199 = tpu.memref_slice %arg2[%dma_start3A_197, %dma_start3A_198] : memref<393216x16xf32, #tpu.memory_space<hbm>> -> memref<393216x16xf32, #tpu.memory_space<hbm>>
    tpu.enqueue_indirect_dma source(%dma_start3A_199 : memref<393216x16xf32, #tpu.memory_space<hbm>>) target(%dma_start3A_193 : memref<128x16xf32, #tpu.memory_space<vmem>>) offsets(%dma_start3A_196 : memref<128xi32, #tpu.memory_space<vmem>>) semaphore(%arg12 : memref<!tpu.dma_semaphore, #tpu.memory_space<semaphore_mem>>)
    %dma_start3A_200 = arith.constant 20 : i32
    %dma_start3A_201 = arith.constant 2560 : i32
    %dma_start3A_202 = arith.constant 0 : i32
    %dma_start3A_203 = tpu.memref_slice %arg6[%dma_start3A_201, %dma_start3A_202] : memref<3072x16xf32, #tpu.memory_space<vmem>> -> memref<128x16xf32, #tpu.memory_space<vmem>>
    %dma_start3A_204 = arith.constant 0 : i32
    %dma_start3A_205 = tpu.memref_slice %arg7[%dma_start3A_200, %dma_start3A_204] : memref<24x128xi32, #tpu.memory_space<vmem>> -> memref<1x128xi32, #tpu.memory_space<vmem>>
    %dma_start3A_206 = tpu.memref_squeeze %dma_start3A_205 : memref<1x128xi32, #tpu.memory_space<vmem>> -> memref<128xi32, #tpu.memory_space<vmem>>
    %dma_start3A_207 = arith.constant 0 : i32
    %dma_start3A_208 = arith.constant 0 : i32
    %dma_start3A_209 = tpu.memref_slice %arg2[%dma_start3A_207, %dma_start3A_208] : memref<393216x16xf32, #tpu.memory_space<hbm>> -> memref<393216x16xf32, #tpu.memory_space<hbm>>
    tpu.enqueue_indirect_dma source(%dma_start3A_209 : memref<393216x16xf32, #tpu.memory_space<hbm>>) target(%dma_start3A_203 : memref<128x16xf32, #tpu.memory_space<vmem>>) offsets(%dma_start3A_206 : memref<128xi32, #tpu.memory_space<vmem>>) semaphore(%arg12 : memref<!tpu.dma_semaphore, #tpu.memory_space<semaphore_mem>>)
    %dma_start3A_210 = arith.constant 21 : i32
    %dma_start3A_211 = arith.constant 2688 : i32
    %dma_start3A_212 = arith.constant 0 : i32
    %dma_start3A_213 = tpu.memref_slice %arg6[%dma_start3A_211, %dma_start3A_212] : memref<3072x16xf32, #tpu.memory_space<vmem>> -> memref<128x16xf32, #tpu.memory_space<vmem>>
    %dma_start3A_214 = arith.constant 0 : i32
    %dma_start3A_215 = tpu.memref_slice %arg7[%dma_start3A_210, %dma_start3A_214] : memref<24x128xi32, #tpu.memory_space<vmem>> -> memref<1x128xi32, #tpu.memory_space<vmem>>
    %dma_start3A_216 = tpu.memref_squeeze %dma_start3A_215 : memref<1x128xi32, #tpu.memory_space<vmem>> -> memref<128xi32, #tpu.memory_space<vmem>>
    %dma_start3A_217 = arith.constant 0 : i32
    %dma_start3A_218 = arith.constant 0 : i32
    %dma_start3A_219 = tpu.memref_slice %arg2[%dma_start3A_217, %dma_start3A_218] : memref<393216x16xf32, #tpu.memory_space<hbm>> -> memref<393216x16xf32, #tpu.memory_space<hbm>>
    tpu.enqueue_indirect_dma source(%dma_start3A_219 : memref<393216x16xf32, #tpu.memory_space<hbm>>) target(%dma_start3A_213 : memref<128x16xf32, #tpu.memory_space<vmem>>) offsets(%dma_start3A_216 : memref<128xi32, #tpu.memory_space<vmem>>) semaphore(%arg12 : memref<!tpu.dma_semaphore, #tpu.memory_space<semaphore_mem>>)
    %dma_start3A_220 = arith.constant 22 : i32
    %dma_start3A_221 = arith.constant 2816 : i32
    %dma_start3A_222 = arith.constant 0 : i32
    %dma_start3A_223 = tpu.memref_slice %arg6[%dma_start3A_221, %dma_start3A_222] : memref<3072x16xf32, #tpu.memory_space<vmem>> -> memref<128x16xf32, #tpu.memory_space<vmem>>
    %dma_start3A_224 = arith.constant 0 : i32
    %dma_start3A_225 = tpu.memref_slice %arg7[%dma_start3A_220, %dma_start3A_224] : memref<24x128xi32, #tpu.memory_space<vmem>> -> memref<1x128xi32, #tpu.memory_space<vmem>>
    %dma_start3A_226 = tpu.memref_squeeze %dma_start3A_225 : memref<1x128xi32, #tpu.memory_space<vmem>> -> memref<128xi32, #tpu.memory_space<vmem>>
    %dma_start3A_227 = arith.constant 0 : i32
    %dma_start3A_228 = arith.constant 0 : i32
    %dma_start3A_229 = tpu.memref_slice %arg2[%dma_start3A_227, %dma_start3A_228] : memref<393216x16xf32, #tpu.memory_space<hbm>> -> memref<393216x16xf32, #tpu.memory_space<hbm>>
    tpu.enqueue_indirect_dma source(%dma_start3A_229 : memref<393216x16xf32, #tpu.memory_space<hbm>>) target(%dma_start3A_223 : memref<128x16xf32, #tpu.memory_space<vmem>>) offsets(%dma_start3A_226 : memref<128xi32, #tpu.memory_space<vmem>>) semaphore(%arg12 : memref<!tpu.dma_semaphore, #tpu.memory_space<semaphore_mem>>)
    %dma_start3A_230 = arith.constant 23 : i32
    %dma_start3A_231 = arith.constant 2944 : i32
    %dma_start3A_232 = arith.constant 0 : i32
    %dma_start3A_233 = tpu.memref_slice %arg6[%dma_start3A_231, %dma_start3A_232] : memref<3072x16xf32, #tpu.memory_space<vmem>> -> memref<128x16xf32, #tpu.memory_space<vmem>>
    %dma_start3A_234 = arith.constant 0 : i32
    %dma_start3A_235 = tpu.memref_slice %arg7[%dma_start3A_230, %dma_start3A_234] : memref<24x128xi32, #tpu.memory_space<vmem>> -> memref<1x128xi32, #tpu.memory_space<vmem>>
    %dma_start3A_236 = tpu.memref_squeeze %dma_start3A_235 : memref<1x128xi32, #tpu.memory_space<vmem>> -> memref<128xi32, #tpu.memory_space<vmem>>
    %dma_start3A_237 = arith.constant 0 : i32
    %dma_start3A_238 = arith.constant 0 : i32
    %dma_start3A_239 = tpu.memref_slice %arg2[%dma_start3A_237, %dma_start3A_238] : memref<393216x16xf32, #tpu.memory_space<hbm>> -> memref<393216x16xf32, #tpu.memory_space<hbm>>
    tpu.enqueue_indirect_dma source(%dma_start3A_239 : memref<393216x16xf32, #tpu.memory_space<hbm>>) target(%dma_start3A_233 : memref<128x16xf32, #tpu.memory_space<vmem>>) offsets(%dma_start3A_236 : memref<128xi32, #tpu.memory_space<vmem>>) semaphore(%arg12 : memref<!tpu.dma_semaphore, #tpu.memory_space<semaphore_mem>>)
    %dma_wait3A = arith.constant 0 : i32
    %dma_wait3A_240 = arith.constant 0 : i32
    %dma_wait3A_241 = arith.constant 0 : i32
    %dma_wait3A_242 = tpu.memref_slice %arg6[%dma_wait3A_240, %dma_wait3A_241] : memref<3072x16xf32, #tpu.memory_space<vmem>> -> memref<128x16xf32, #tpu.memory_space<vmem>>
    %dma_wait3A_243 = arith.constant 0 : i32
    %dma_wait3A_244 = tpu.memref_slice %arg7[%dma_wait3A, %dma_wait3A_243] : memref<24x128xi32, #tpu.memory_space<vmem>> -> memref<1x128xi32, #tpu.memory_space<vmem>>
    %dma_wait3A_245 = tpu.memref_squeeze %dma_wait3A_244 : memref<1x128xi32, #tpu.memory_space<vmem>> -> memref<128xi32, #tpu.memory_space<vmem>>
    %dma_wait3A_246 = arith.constant 0 : i32
    %dma_wait3A_247 = arith.constant 0 : i32
    %dma_wait3A_248 = tpu.memref_slice %arg2[%dma_wait3A_246, %dma_wait3A_247] : memref<393216x16xf32, #tpu.memory_space<hbm>> -> memref<393216x16xf32, #tpu.memory_space<hbm>>
    tpu.wait_indirect_dma semaphore(%arg12 : memref<!tpu.dma_semaphore, #tpu.memory_space<semaphore_mem>>) src(%dma_wait3A_248 : memref<393216x16xf32, #tpu.memory_space<hbm>>) dst(%dma_wait3A_242 : memref<128x16xf32, #tpu.memory_space<vmem>>)
    %dma_wait3A_249 = arith.constant 1 : i32
    %dma_wait3A_250 = arith.constant 128 : i32
    %dma_wait3A_251 = arith.constant 0 : i32
    %dma_wait3A_252 = tpu.memref_slice %arg6[%dma_wait3A_250, %dma_wait3A_251] : memref<3072x16xf32, #tpu.memory_space<vmem>> -> memref<128x16xf32, #tpu.memory_space<vmem>>
    %dma_wait3A_253 = arith.constant 0 : i32
    %dma_wait3A_254 = tpu.memref_slice %arg7[%dma_wait3A_249, %dma_wait3A_253] : memref<24x128xi32, #tpu.memory_space<vmem>> -> memref<1x128xi32, #tpu.memory_space<vmem>>
    %dma_wait3A_255 = tpu.memref_squeeze %dma_wait3A_254 : memref<1x128xi32, #tpu.memory_space<vmem>> -> memref<128xi32, #tpu.memory_space<vmem>>
    %dma_wait3A_256 = arith.constant 0 : i32
    %dma_wait3A_257 = arith.constant 0 : i32
    %dma_wait3A_258 = tpu.memref_slice %arg2[%dma_wait3A_256, %dma_wait3A_257] : memref<393216x16xf32, #tpu.memory_space<hbm>> -> memref<393216x16xf32, #tpu.memory_space<hbm>>
    tpu.wait_indirect_dma semaphore(%arg12 : memref<!tpu.dma_semaphore, #tpu.memory_space<semaphore_mem>>) src(%dma_wait3A_258 : memref<393216x16xf32, #tpu.memory_space<hbm>>) dst(%dma_wait3A_252 : memref<128x16xf32, #tpu.memory_space<vmem>>)
    %dma_wait3A_259 = arith.constant 2 : i32
    %dma_wait3A_260 = arith.constant 256 : i32
    %dma_wait3A_261 = arith.constant 0 : i32
    %dma_wait3A_262 = tpu.memref_slice %arg6[%dma_wait3A_260, %dma_wait3A_261] : memref<3072x16xf32, #tpu.memory_space<vmem>> -> memref<128x16xf32, #tpu.memory_space<vmem>>
    %dma_wait3A_263 = arith.constant 0 : i32
    %dma_wait3A_264 = tpu.memref_slice %arg7[%dma_wait3A_259, %dma_wait3A_263] : memref<24x128xi32, #tpu.memory_space<vmem>> -> memref<1x128xi32, #tpu.memory_space<vmem>>
    %dma_wait3A_265 = tpu.memref_squeeze %dma_wait3A_264 : memref<1x128xi32, #tpu.memory_space<vmem>> -> memref<128xi32, #tpu.memory_space<vmem>>
    %dma_wait3A_266 = arith.constant 0 : i32
    %dma_wait3A_267 = arith.constant 0 : i32
    %dma_wait3A_268 = tpu.memref_slice %arg2[%dma_wait3A_266, %dma_wait3A_267] : memref<393216x16xf32, #tpu.memory_space<hbm>> -> memref<393216x16xf32, #tpu.memory_space<hbm>>
    tpu.wait_indirect_dma semaphore(%arg12 : memref<!tpu.dma_semaphore, #tpu.memory_space<semaphore_mem>>) src(%dma_wait3A_268 : memref<393216x16xf32, #tpu.memory_space<hbm>>) dst(%dma_wait3A_262 : memref<128x16xf32, #tpu.memory_space<vmem>>)
    %dma_wait3A_269 = arith.constant 3 : i32
    %dma_wait3A_270 = arith.constant 384 : i32
    %dma_wait3A_271 = arith.constant 0 : i32
    %dma_wait3A_272 = tpu.memref_slice %arg6[%dma_wait3A_270, %dma_wait3A_271] : memref<3072x16xf32, #tpu.memory_space<vmem>> -> memref<128x16xf32, #tpu.memory_space<vmem>>
    %dma_wait3A_273 = arith.constant 0 : i32
    %dma_wait3A_274 = tpu.memref_slice %arg7[%dma_wait3A_269, %dma_wait3A_273] : memref<24x128xi32, #tpu.memory_space<vmem>> -> memref<1x128xi32, #tpu.memory_space<vmem>>
    %dma_wait3A_275 = tpu.memref_squeeze %dma_wait3A_274 : memref<1x128xi32, #tpu.memory_space<vmem>> -> memref<128xi32, #tpu.memory_space<vmem>>
    %dma_wait3A_276 = arith.constant 0 : i32
    %dma_wait3A_277 = arith.constant 0 : i32
    %dma_wait3A_278 = tpu.memref_slice %arg2[%dma_wait3A_276, %dma_wait3A_277] : memref<393216x16xf32, #tpu.memory_space<hbm>> -> memref<393216x16xf32, #tpu.memory_space<hbm>>
    tpu.wait_indirect_dma semaphore(%arg12 : memref<!tpu.dma_semaphore, #tpu.memory_space<semaphore_mem>>) src(%dma_wait3A_278 : memref<393216x16xf32, #tpu.memory_space<hbm>>) dst(%dma_wait3A_272 : memref<128x16xf32, #tpu.memory_space<vmem>>)
    %dma_wait3A_279 = arith.constant 4 : i32
    %dma_wait3A_280 = arith.constant 512 : i32
    %dma_wait3A_281 = arith.constant 0 : i32
    %dma_wait3A_282 = tpu.memref_slice %arg6[%dma_wait3A_280, %dma_wait3A_281] : memref<3072x16xf32, #tpu.memory_space<vmem>> -> memref<128x16xf32, #tpu.memory_space<vmem>>
    %dma_wait3A_283 = arith.constant 0 : i32
    %dma_wait3A_284 = tpu.memref_slice %arg7[%dma_wait3A_279, %dma_wait3A_283] : memref<24x128xi32, #tpu.memory_space<vmem>> -> memref<1x128xi32, #tpu.memory_space<vmem>>
    %dma_wait3A_285 = tpu.memref_squeeze %dma_wait3A_284 : memref<1x128xi32, #tpu.memory_space<vmem>> -> memref<128xi32, #tpu.memory_space<vmem>>
    %dma_wait3A_286 = arith.constant 0 : i32
    %dma_wait3A_287 = arith.constant 0 : i32
    %dma_wait3A_288 = tpu.memref_slice %arg2[%dma_wait3A_286, %dma_wait3A_287] : memref<393216x16xf32, #tpu.memory_space<hbm>> -> memref<393216x16xf32, #tpu.memory_space<hbm>>
    tpu.wait_indirect_dma semaphore(%arg12 : memref<!tpu.dma_semaphore, #tpu.memory_space<semaphore_mem>>) src(%dma_wait3A_288 : memref<393216x16xf32, #tpu.memory_space<hbm>>) dst(%dma_wait3A_282 : memref<128x16xf32, #tpu.memory_space<vmem>>)
    %dma_wait3A_289 = arith.constant 5 : i32
    %dma_wait3A_290 = arith.constant 640 : i32
    %dma_wait3A_291 = arith.constant 0 : i32
    %dma_wait3A_292 = tpu.memref_slice %arg6[%dma_wait3A_290, %dma_wait3A_291] : memref<3072x16xf32, #tpu.memory_space<vmem>> -> memref<128x16xf32, #tpu.memory_space<vmem>>
    %dma_wait3A_293 = arith.constant 0 : i32
    %dma_wait3A_294 = tpu.memref_slice %arg7[%dma_wait3A_289, %dma_wait3A_293] : memref<24x128xi32, #tpu.memory_space<vmem>> -> memref<1x128xi32, #tpu.memory_space<vmem>>
    %dma_wait3A_295 = tpu.memref_squeeze %dma_wait3A_294 : memref<1x128xi32, #tpu.memory_space<vmem>> -> memref<128xi32, #tpu.memory_space<vmem>>
    %dma_wait3A_296 = arith.constant 0 : i32
    %dma_wait3A_297 = arith.constant 0 : i32
    %dma_wait3A_298 = tpu.memref_slice %arg2[%dma_wait3A_296, %dma_wait3A_297] : memref<393216x16xf32, #tpu.memory_space<hbm>> -> memref<393216x16xf32, #tpu.memory_space<hbm>>
    tpu.wait_indirect_dma semaphore(%arg12 : memref<!tpu.dma_semaphore, #tpu.memory_space<semaphore_mem>>) src(%dma_wait3A_298 : memref<393216x16xf32, #tpu.memory_space<hbm>>) dst(%dma_wait3A_292 : memref<128x16xf32, #tpu.memory_space<vmem>>)
    %dma_wait3A_299 = arith.constant 6 : i32
    %dma_wait3A_300 = arith.constant 768 : i32
    %dma_wait3A_301 = arith.constant 0 : i32
    %dma_wait3A_302 = tpu.memref_slice %arg6[%dma_wait3A_300, %dma_wait3A_301] : memref<3072x16xf32, #tpu.memory_space<vmem>> -> memref<128x16xf32, #tpu.memory_space<vmem>>
    %dma_wait3A_303 = arith.constant 0 : i32
    %dma_wait3A_304 = tpu.memref_slice %arg7[%dma_wait3A_299, %dma_wait3A_303] : memref<24x128xi32, #tpu.memory_space<vmem>> -> memref<1x128xi32, #tpu.memory_space<vmem>>
    %dma_wait3A_305 = tpu.memref_squeeze %dma_wait3A_304 : memref<1x128xi32, #tpu.memory_space<vmem>> -> memref<128xi32, #tpu.memory_space<vmem>>
    %dma_wait3A_306 = arith.constant 0 : i32
    %dma_wait3A_307 = arith.constant 0 : i32
    %dma_wait3A_308 = tpu.memref_slice %arg2[%dma_wait3A_306, %dma_wait3A_307] : memref<393216x16xf32, #tpu.memory_space<hbm>> -> memref<393216x16xf32, #tpu.memory_space<hbm>>
    tpu.wait_indirect_dma semaphore(%arg12 : memref<!tpu.dma_semaphore, #tpu.memory_space<semaphore_mem>>) src(%dma_wait3A_308 : memref<393216x16xf32, #tpu.memory_space<hbm>>) dst(%dma_wait3A_302 : memref<128x16xf32, #tpu.memory_space<vmem>>)
    %dma_wait3A_309 = arith.constant 7 : i32
    %dma_wait3A_310 = arith.constant 896 : i32
    %dma_wait3A_311 = arith.constant 0 : i32
    %dma_wait3A_312 = tpu.memref_slice %arg6[%dma_wait3A_310, %dma_wait3A_311] : memref<3072x16xf32, #tpu.memory_space<vmem>> -> memref<128x16xf32, #tpu.memory_space<vmem>>
    %dma_wait3A_313 = arith.constant 0 : i32
    %dma_wait3A_314 = tpu.memref_slice %arg7[%dma_wait3A_309, %dma_wait3A_313] : memref<24x128xi32, #tpu.memory_space<vmem>> -> memref<1x128xi32, #tpu.memory_space<vmem>>
    %dma_wait3A_315 = tpu.memref_squeeze %dma_wait3A_314 : memref<1x128xi32, #tpu.memory_space<vmem>> -> memref<128xi32, #tpu.memory_space<vmem>>
    %dma_wait3A_316 = arith.constant 0 : i32
    %dma_wait3A_317 = arith.constant 0 : i32
    %dma_wait3A_318 = tpu.memref_slice %arg2[%dma_wait3A_316, %dma_wait3A_317] : memref<393216x16xf32, #tpu.memory_space<hbm>> -> memref<393216x16xf32, #tpu.memory_space<hbm>>
    tpu.wait_indirect_dma semaphore(%arg12 : memref<!tpu.dma_semaphore, #tpu.memory_space<semaphore_mem>>) src(%dma_wait3A_318 : memref<393216x16xf32, #tpu.memory_space<hbm>>) dst(%dma_wait3A_312 : memref<128x16xf32, #tpu.memory_space<vmem>>)
    %dma_wait3A_319 = arith.constant 8 : i32
    %dma_wait3A_320 = arith.constant 1024 : i32
    %dma_wait3A_321 = arith.constant 0 : i32
    %dma_wait3A_322 = tpu.memref_slice %arg6[%dma_wait3A_320, %dma_wait3A_321] : memref<3072x16xf32, #tpu.memory_space<vmem>> -> memref<128x16xf32, #tpu.memory_space<vmem>>
    %dma_wait3A_323 = arith.constant 0 : i32
    %dma_wait3A_324 = tpu.memref_slice %arg7[%dma_wait3A_319, %dma_wait3A_323] : memref<24x128xi32, #tpu.memory_space<vmem>> -> memref<1x128xi32, #tpu.memory_space<vmem>>
    %dma_wait3A_325 = tpu.memref_squeeze %dma_wait3A_324 : memref<1x128xi32, #tpu.memory_space<vmem>> -> memref<128xi32, #tpu.memory_space<vmem>>
    %dma_wait3A_326 = arith.constant 0 : i32
    %dma_wait3A_327 = arith.constant 0 : i32
    %dma_wait3A_328 = tpu.memref_slice %arg2[%dma_wait3A_326, %dma_wait3A_327] : memref<393216x16xf32, #tpu.memory_space<hbm>> -> memref<393216x16xf32, #tpu.memory_space<hbm>>
    tpu.wait_indirect_dma semaphore(%arg12 : memref<!tpu.dma_semaphore, #tpu.memory_space<semaphore_mem>>) src(%dma_wait3A_328 : memref<393216x16xf32, #tpu.memory_space<hbm>>) dst(%dma_wait3A_322 : memref<128x16xf32, #tpu.memory_space<vmem>>)
    %dma_wait3A_329 = arith.constant 9 : i32
    %dma_wait3A_330 = arith.constant 1152 : i32
    %dma_wait3A_331 = arith.constant 0 : i32
    %dma_wait3A_332 = tpu.memref_slice %arg6[%dma_wait3A_330, %dma_wait3A_331] : memref<3072x16xf32, #tpu.memory_space<vmem>> -> memref<128x16xf32, #tpu.memory_space<vmem>>
    %dma_wait3A_333 = arith.constant 0 : i32
    %dma_wait3A_334 = tpu.memref_slice %arg7[%dma_wait3A_329, %dma_wait3A_333] : memref<24x128xi32, #tpu.memory_space<vmem>> -> memref<1x128xi32, #tpu.memory_space<vmem>>
    %dma_wait3A_335 = tpu.memref_squeeze %dma_wait3A_334 : memref<1x128xi32, #tpu.memory_space<vmem>> -> memref<128xi32, #tpu.memory_space<vmem>>
    %dma_wait3A_336 = arith.constant 0 : i32
    %dma_wait3A_337 = arith.constant 0 : i32
    %dma_wait3A_338 = tpu.memref_slice %arg2[%dma_wait3A_336, %dma_wait3A_337] : memref<393216x16xf32, #tpu.memory_space<hbm>> -> memref<393216x16xf32, #tpu.memory_space<hbm>>
    tpu.wait_indirect_dma semaphore(%arg12 : memref<!tpu.dma_semaphore, #tpu.memory_space<semaphore_mem>>) src(%dma_wait3A_338 : memref<393216x16xf32, #tpu.memory_space<hbm>>) dst(%dma_wait3A_332 : memref<128x16xf32, #tpu.memory_space<vmem>>)
    %dma_wait3A_339 = arith.constant 10 : i32
    %dma_wait3A_340 = arith.constant 1280 : i32
    %dma_wait3A_341 = arith.constant 0 : i32
    %dma_wait3A_342 = tpu.memref_slice %arg6[%dma_wait3A_340, %dma_wait3A_341] : memref<3072x16xf32, #tpu.memory_space<vmem>> -> memref<128x16xf32, #tpu.memory_space<vmem>>
    %dma_wait3A_343 = arith.constant 0 : i32
    %dma_wait3A_344 = tpu.memref_slice %arg7[%dma_wait3A_339, %dma_wait3A_343] : memref<24x128xi32, #tpu.memory_space<vmem>> -> memref<1x128xi32, #tpu.memory_space<vmem>>
    %dma_wait3A_345 = tpu.memref_squeeze %dma_wait3A_344 : memref<1x128xi32, #tpu.memory_space<vmem>> -> memref<128xi32, #tpu.memory_space<vmem>>
    %dma_wait3A_346 = arith.constant 0 : i32
    %dma_wait3A_347 = arith.constant 0 : i32
    %dma_wait3A_348 = tpu.memref_slice %arg2[%dma_wait3A_346, %dma_wait3A_347] : memref<393216x16xf32, #tpu.memory_space<hbm>> -> memref<393216x16xf32, #tpu.memory_space<hbm>>
    tpu.wait_indirect_dma semaphore(%arg12 : memref<!tpu.dma_semaphore, #tpu.memory_space<semaphore_mem>>) src(%dma_wait3A_348 : memref<393216x16xf32, #tpu.memory_space<hbm>>) dst(%dma_wait3A_342 : memref<128x16xf32, #tpu.memory_space<vmem>>)
    %dma_wait3A_349 = arith.constant 11 : i32
    %dma_wait3A_350 = arith.constant 1408 : i32
    %dma_wait3A_351 = arith.constant 0 : i32
    %dma_wait3A_352 = tpu.memref_slice %arg6[%dma_wait3A_350, %dma_wait3A_351] : memref<3072x16xf32, #tpu.memory_space<vmem>> -> memref<128x16xf32, #tpu.memory_space<vmem>>
    %dma_wait3A_353 = arith.constant 0 : i32
    %dma_wait3A_354 = tpu.memref_slice %arg7[%dma_wait3A_349, %dma_wait3A_353] : memref<24x128xi32, #tpu.memory_space<vmem>> -> memref<1x128xi32, #tpu.memory_space<vmem>>
    %dma_wait3A_355 = tpu.memref_squeeze %dma_wait3A_354 : memref<1x128xi32, #tpu.memory_space<vmem>> -> memref<128xi32, #tpu.memory_space<vmem>>
    %dma_wait3A_356 = arith.constant 0 : i32
    %dma_wait3A_357 = arith.constant 0 : i32
    %dma_wait3A_358 = tpu.memref_slice %arg2[%dma_wait3A_356, %dma_wait3A_357] : memref<393216x16xf32, #tpu.memory_space<hbm>> -> memref<393216x16xf32, #tpu.memory_space<hbm>>
    tpu.wait_indirect_dma semaphore(%arg12 : memref<!tpu.dma_semaphore, #tpu.memory_space<semaphore_mem>>) src(%dma_wait3A_358 : memref<393216x16xf32, #tpu.memory_space<hbm>>) dst(%dma_wait3A_352 : memref<128x16xf32, #tpu.memory_space<vmem>>)
    %dma_wait3A_359 = arith.constant 12 : i32
    %dma_wait3A_360 = arith.constant 1536 : i32
    %dma_wait3A_361 = arith.constant 0 : i32
    %dma_wait3A_362 = tpu.memref_slice %arg6[%dma_wait3A_360, %dma_wait3A_361] : memref<3072x16xf32, #tpu.memory_space<vmem>> -> memref<128x16xf32, #tpu.memory_space<vmem>>
    %dma_wait3A_363 = arith.constant 0 : i32
    %dma_wait3A_364 = tpu.memref_slice %arg7[%dma_wait3A_359, %dma_wait3A_363] : memref<24x128xi32, #tpu.memory_space<vmem>> -> memref<1x128xi32, #tpu.memory_space<vmem>>
    %dma_wait3A_365 = tpu.memref_squeeze %dma_wait3A_364 : memref<1x128xi32, #tpu.memory_space<vmem>> -> memref<128xi32, #tpu.memory_space<vmem>>
    %dma_wait3A_366 = arith.constant 0 : i32
    %dma_wait3A_367 = arith.constant 0 : i32
    %dma_wait3A_368 = tpu.memref_slice %arg2[%dma_wait3A_366, %dma_wait3A_367] : memref<393216x16xf32, #tpu.memory_space<hbm>> -> memref<393216x16xf32, #tpu.memory_space<hbm>>
    tpu.wait_indirect_dma semaphore(%arg12 : memref<!tpu.dma_semaphore, #tpu.memory_space<semaphore_mem>>) src(%dma_wait3A_368 : memref<393216x16xf32, #tpu.memory_space<hbm>>) dst(%dma_wait3A_362 : memref<128x16xf32, #tpu.memory_space<vmem>>)
    %dma_wait3A_369 = arith.constant 13 : i32
    %dma_wait3A_370 = arith.constant 1664 : i32
    %dma_wait3A_371 = arith.constant 0 : i32
    %dma_wait3A_372 = tpu.memref_slice %arg6[%dma_wait3A_370, %dma_wait3A_371] : memref<3072x16xf32, #tpu.memory_space<vmem>> -> memref<128x16xf32, #tpu.memory_space<vmem>>
    %dma_wait3A_373 = arith.constant 0 : i32
    %dma_wait3A_374 = tpu.memref_slice %arg7[%dma_wait3A_369, %dma_wait3A_373] : memref<24x128xi32, #tpu.memory_space<vmem>> -> memref<1x128xi32, #tpu.memory_space<vmem>>
    %dma_wait3A_375 = tpu.memref_squeeze %dma_wait3A_374 : memref<1x128xi32, #tpu.memory_space<vmem>> -> memref<128xi32, #tpu.memory_space<vmem>>
    %dma_wait3A_376 = arith.constant 0 : i32
    %dma_wait3A_377 = arith.constant 0 : i32
    %dma_wait3A_378 = tpu.memref_slice %arg2[%dma_wait3A_376, %dma_wait3A_377] : memref<393216x16xf32, #tpu.memory_space<hbm>> -> memref<393216x16xf32, #tpu.memory_space<hbm>>
    tpu.wait_indirect_dma semaphore(%arg12 : memref<!tpu.dma_semaphore, #tpu.memory_space<semaphore_mem>>) src(%dma_wait3A_378 : memref<393216x16xf32, #tpu.memory_space<hbm>>) dst(%dma_wait3A_372 : memref<128x16xf32, #tpu.memory_space<vmem>>)
    %dma_wait3A_379 = arith.constant 14 : i32
    %dma_wait3A_380 = arith.constant 1792 : i32
    %dma_wait3A_381 = arith.constant 0 : i32
    %dma_wait3A_382 = tpu.memref_slice %arg6[%dma_wait3A_380, %dma_wait3A_381] : memref<3072x16xf32, #tpu.memory_space<vmem>> -> memref<128x16xf32, #tpu.memory_space<vmem>>
    %dma_wait3A_383 = arith.constant 0 : i32
    %dma_wait3A_384 = tpu.memref_slice %arg7[%dma_wait3A_379, %dma_wait3A_383] : memref<24x128xi32, #tpu.memory_space<vmem>> -> memref<1x128xi32, #tpu.memory_space<vmem>>
    %dma_wait3A_385 = tpu.memref_squeeze %dma_wait3A_384 : memref<1x128xi32, #tpu.memory_space<vmem>> -> memref<128xi32, #tpu.memory_space<vmem>>
    %dma_wait3A_386 = arith.constant 0 : i32
    %dma_wait3A_387 = arith.constant 0 : i32
    %dma_wait3A_388 = tpu.memref_slice %arg2[%dma_wait3A_386, %dma_wait3A_387] : memref<393216x16xf32, #tpu.memory_space<hbm>> -> memref<393216x16xf32, #tpu.memory_space<hbm>>
    tpu.wait_indirect_dma semaphore(%arg12 : memref<!tpu.dma_semaphore, #tpu.memory_space<semaphore_mem>>) src(%dma_wait3A_388 : memref<393216x16xf32, #tpu.memory_space<hbm>>) dst(%dma_wait3A_382 : memref<128x16xf32, #tpu.memory_space<vmem>>)
    %dma_wait3A_389 = arith.constant 15 : i32
    %dma_wait3A_390 = arith.constant 1920 : i32
    %dma_wait3A_391 = arith.constant 0 : i32
    %dma_wait3A_392 = tpu.memref_slice %arg6[%dma_wait3A_390, %dma_wait3A_391] : memref<3072x16xf32, #tpu.memory_space<vmem>> -> memref<128x16xf32, #tpu.memory_space<vmem>>
    %dma_wait3A_393 = arith.constant 0 : i32
    %dma_wait3A_394 = tpu.memref_slice %arg7[%dma_wait3A_389, %dma_wait3A_393] : memref<24x128xi32, #tpu.memory_space<vmem>> -> memref<1x128xi32, #tpu.memory_space<vmem>>
    %dma_wait3A_395 = tpu.memref_squeeze %dma_wait3A_394 : memref<1x128xi32, #tpu.memory_space<vmem>> -> memref<128xi32, #tpu.memory_space<vmem>>
    %dma_wait3A_396 = arith.constant 0 : i32
    %dma_wait3A_397 = arith.constant 0 : i32
    %dma_wait3A_398 = tpu.memref_slice %arg2[%dma_wait3A_396, %dma_wait3A_397] : memref<393216x16xf32, #tpu.memory_space<hbm>> -> memref<393216x16xf32, #tpu.memory_space<hbm>>
    tpu.wait_indirect_dma semaphore(%arg12 : memref<!tpu.dma_semaphore, #tpu.memory_space<semaphore_mem>>) src(%dma_wait3A_398 : memref<393216x16xf32, #tpu.memory_space<hbm>>) dst(%dma_wait3A_392 : memref<128x16xf32, #tpu.memory_space<vmem>>)
    %dma_wait3A_399 = arith.constant 16 : i32
    %dma_wait3A_400 = arith.constant 2048 : i32
    %dma_wait3A_401 = arith.constant 0 : i32
    %dma_wait3A_402 = tpu.memref_slice %arg6[%dma_wait3A_400, %dma_wait3A_401] : memref<3072x16xf32, #tpu.memory_space<vmem>> -> memref<128x16xf32, #tpu.memory_space<vmem>>
    %dma_wait3A_403 = arith.constant 0 : i32
    %dma_wait3A_404 = tpu.memref_slice %arg7[%dma_wait3A_399, %dma_wait3A_403] : memref<24x128xi32, #tpu.memory_space<vmem>> -> memref<1x128xi32, #tpu.memory_space<vmem>>
    %dma_wait3A_405 = tpu.memref_squeeze %dma_wait3A_404 : memref<1x128xi32, #tpu.memory_space<vmem>> -> memref<128xi32, #tpu.memory_space<vmem>>
    %dma_wait3A_406 = arith.constant 0 : i32
    %dma_wait3A_407 = arith.constant 0 : i32
    %dma_wait3A_408 = tpu.memref_slice %arg2[%dma_wait3A_406, %dma_wait3A_407] : memref<393216x16xf32, #tpu.memory_space<hbm>> -> memref<393216x16xf32, #tpu.memory_space<hbm>>
    tpu.wait_indirect_dma semaphore(%arg12 : memref<!tpu.dma_semaphore, #tpu.memory_space<semaphore_mem>>) src(%dma_wait3A_408 : memref<393216x16xf32, #tpu.memory_space<hbm>>) dst(%dma_wait3A_402 : memref<128x16xf32, #tpu.memory_space<vmem>>)
    %dma_wait3A_409 = arith.constant 17 : i32
    %dma_wait3A_410 = arith.constant 2176 : i32
    %dma_wait3A_411 = arith.constant 0 : i32
    %dma_wait3A_412 = tpu.memref_slice %arg6[%dma_wait3A_410, %dma_wait3A_411] : memref<3072x16xf32, #tpu.memory_space<vmem>> -> memref<128x16xf32, #tpu.memory_space<vmem>>
    %dma_wait3A_413 = arith.constant 0 : i32
    %dma_wait3A_414 = tpu.memref_slice %arg7[%dma_wait3A_409, %dma_wait3A_413] : memref<24x128xi32, #tpu.memory_space<vmem>> -> memref<1x128xi32, #tpu.memory_space<vmem>>
    %dma_wait3A_415 = tpu.memref_squeeze %dma_wait3A_414 : memref<1x128xi32, #tpu.memory_space<vmem>> -> memref<128xi32, #tpu.memory_space<vmem>>
    %dma_wait3A_416 = arith.constant 0 : i32
    %dma_wait3A_417 = arith.constant 0 : i32
    %dma_wait3A_418 = tpu.memref_slice %arg2[%dma_wait3A_416, %dma_wait3A_417] : memref<393216x16xf32, #tpu.memory_space<hbm>> -> memref<393216x16xf32, #tpu.memory_space<hbm>>
    tpu.wait_indirect_dma semaphore(%arg12 : memref<!tpu.dma_semaphore, #tpu.memory_space<semaphore_mem>>) src(%dma_wait3A_418 : memref<393216x16xf32, #tpu.memory_space<hbm>>) dst(%dma_wait3A_412 : memref<128x16xf32, #tpu.memory_space<vmem>>)
    %dma_wait3A_419 = arith.constant 18 : i32
    %dma_wait3A_420 = arith.constant 2304 : i32
    %dma_wait3A_421 = arith.constant 0 : i32
    %dma_wait3A_422 = tpu.memref_slice %arg6[%dma_wait3A_420, %dma_wait3A_421] : memref<3072x16xf32, #tpu.memory_space<vmem>> -> memref<128x16xf32, #tpu.memory_space<vmem>>
    %dma_wait3A_423 = arith.constant 0 : i32
    %dma_wait3A_424 = tpu.memref_slice %arg7[%dma_wait3A_419, %dma_wait3A_423] : memref<24x128xi32, #tpu.memory_space<vmem>> -> memref<1x128xi32, #tpu.memory_space<vmem>>
    %dma_wait3A_425 = tpu.memref_squeeze %dma_wait3A_424 : memref<1x128xi32, #tpu.memory_space<vmem>> -> memref<128xi32, #tpu.memory_space<vmem>>
    %dma_wait3A_426 = arith.constant 0 : i32
    %dma_wait3A_427 = arith.constant 0 : i32
    %dma_wait3A_428 = tpu.memref_slice %arg2[%dma_wait3A_426, %dma_wait3A_427] : memref<393216x16xf32, #tpu.memory_space<hbm>> -> memref<393216x16xf32, #tpu.memory_space<hbm>>
    tpu.wait_indirect_dma semaphore(%arg12 : memref<!tpu.dma_semaphore, #tpu.memory_space<semaphore_mem>>) src(%dma_wait3A_428 : memref<393216x16xf32, #tpu.memory_space<hbm>>) dst(%dma_wait3A_422 : memref<128x16xf32, #tpu.memory_space<vmem>>)
    %dma_wait3A_429 = arith.constant 19 : i32
    %dma_wait3A_430 = arith.constant 2432 : i32
    %dma_wait3A_431 = arith.constant 0 : i32
    %dma_wait3A_432 = tpu.memref_slice %arg6[%dma_wait3A_430, %dma_wait3A_431] : memref<3072x16xf32, #tpu.memory_space<vmem>> -> memref<128x16xf32, #tpu.memory_space<vmem>>
    %dma_wait3A_433 = arith.constant 0 : i32
    %dma_wait3A_434 = tpu.memref_slice %arg7[%dma_wait3A_429, %dma_wait3A_433] : memref<24x128xi32, #tpu.memory_space<vmem>> -> memref<1x128xi32, #tpu.memory_space<vmem>>
    %dma_wait3A_435 = tpu.memref_squeeze %dma_wait3A_434 : memref<1x128xi32, #tpu.memory_space<vmem>> -> memref<128xi32, #tpu.memory_space<vmem>>
    %dma_wait3A_436 = arith.constant 0 : i32
    %dma_wait3A_437 = arith.constant 0 : i32
    %dma_wait3A_438 = tpu.memref_slice %arg2[%dma_wait3A_436, %dma_wait3A_437] : memref<393216x16xf32, #tpu.memory_space<hbm>> -> memref<393216x16xf32, #tpu.memory_space<hbm>>
    tpu.wait_indirect_dma semaphore(%arg12 : memref<!tpu.dma_semaphore, #tpu.memory_space<semaphore_mem>>) src(%dma_wait3A_438 : memref<393216x16xf32, #tpu.memory_space<hbm>>) dst(%dma_wait3A_432 : memref<128x16xf32, #tpu.memory_space<vmem>>)
    %dma_wait3A_439 = arith.constant 20 : i32
    %dma_wait3A_440 = arith.constant 2560 : i32
    %dma_wait3A_441 = arith.constant 0 : i32
    %dma_wait3A_442 = tpu.memref_slice %arg6[%dma_wait3A_440, %dma_wait3A_441] : memref<3072x16xf32, #tpu.memory_space<vmem>> -> memref<128x16xf32, #tpu.memory_space<vmem>>
    %dma_wait3A_443 = arith.constant 0 : i32
    %dma_wait3A_444 = tpu.memref_slice %arg7[%dma_wait3A_439, %dma_wait3A_443] : memref<24x128xi32, #tpu.memory_space<vmem>> -> memref<1x128xi32, #tpu.memory_space<vmem>>
    %dma_wait3A_445 = tpu.memref_squeeze %dma_wait3A_444 : memref<1x128xi32, #tpu.memory_space<vmem>> -> memref<128xi32, #tpu.memory_space<vmem>>
    %dma_wait3A_446 = arith.constant 0 : i32
    %dma_wait3A_447 = arith.constant 0 : i32
    %dma_wait3A_448 = tpu.memref_slice %arg2[%dma_wait3A_446, %dma_wait3A_447] : memref<393216x16xf32, #tpu.memory_space<hbm>> -> memref<393216x16xf32, #tpu.memory_space<hbm>>
    tpu.wait_indirect_dma semaphore(%arg12 : memref<!tpu.dma_semaphore, #tpu.memory_space<semaphore_mem>>) src(%dma_wait3A_448 : memref<393216x16xf32, #tpu.memory_space<hbm>>) dst(%dma_wait3A_442 : memref<128x16xf32, #tpu.memory_space<vmem>>)
    %dma_wait3A_449 = arith.constant 21 : i32
    %dma_wait3A_450 = arith.constant 2688 : i32
    %dma_wait3A_451 = arith.constant 0 : i32
    %dma_wait3A_452 = tpu.memref_slice %arg6[%dma_wait3A_450, %dma_wait3A_451] : memref<3072x16xf32, #tpu.memory_space<vmem>> -> memref<128x16xf32, #tpu.memory_space<vmem>>
    %dma_wait3A_453 = arith.constant 0 : i32
    %dma_wait3A_454 = tpu.memref_slice %arg7[%dma_wait3A_449, %dma_wait3A_453] : memref<24x128xi32, #tpu.memory_space<vmem>> -> memref<1x128xi32, #tpu.memory_space<vmem>>
    %dma_wait3A_455 = tpu.memref_squeeze %dma_wait3A_454 : memref<1x128xi32, #tpu.memory_space<vmem>> -> memref<128xi32, #tpu.memory_space<vmem>>
    %dma_wait3A_456 = arith.constant 0 : i32
    %dma_wait3A_457 = arith.constant 0 : i32
    %dma_wait3A_458 = tpu.memref_slice %arg2[%dma_wait3A_456, %dma_wait3A_457] : memref<393216x16xf32, #tpu.memory_space<hbm>> -> memref<393216x16xf32, #tpu.memory_space<hbm>>
    tpu.wait_indirect_dma semaphore(%arg12 : memref<!tpu.dma_semaphore, #tpu.memory_space<semaphore_mem>>) src(%dma_wait3A_458 : memref<393216x16xf32, #tpu.memory_space<hbm>>) dst(%dma_wait3A_452 : memref<128x16xf32, #tpu.memory_space<vmem>>)
    %dma_wait3A_459 = arith.constant 22 : i32
    %dma_wait3A_460 = arith.constant 2816 : i32
    %dma_wait3A_461 = arith.constant 0 : i32
    %dma_wait3A_462 = tpu.memref_slice %arg6[%dma_wait3A_460, %dma_wait3A_461] : memref<3072x16xf32, #tpu.memory_space<vmem>> -> memref<128x16xf32, #tpu.memory_space<vmem>>
    %dma_wait3A_463 = arith.constant 0 : i32
    %dma_wait3A_464 = tpu.memref_slice %arg7[%dma_wait3A_459, %dma_wait3A_463] : memref<24x128xi32, #tpu.memory_space<vmem>> -> memref<1x128xi32, #tpu.memory_space<vmem>>
    %dma_wait3A_465 = tpu.memref_squeeze %dma_wait3A_464 : memref<1x128xi32, #tpu.memory_space<vmem>> -> memref<128xi32, #tpu.memory_space<vmem>>
    %dma_wait3A_466 = arith.constant 0 : i32
    %dma_wait3A_467 = arith.constant 0 : i32
    %dma_wait3A_468 = tpu.memref_slice %arg2[%dma_wait3A_466, %dma_wait3A_467] : memref<393216x16xf32, #tpu.memory_space<hbm>> -> memref<393216x16xf32, #tpu.memory_space<hbm>>
    tpu.wait_indirect_dma semaphore(%arg12 : memref<!tpu.dma_semaphore, #tpu.memory_space<semaphore_mem>>) src(%dma_wait3A_468 : memref<393216x16xf32, #tpu.memory_space<hbm>>) dst(%dma_wait3A_462 : memref<128x16xf32, #tpu.memory_space<vmem>>)
    %dma_wait3A_469 = arith.constant 23 : i32
    %dma_wait3A_470 = arith.constant 2944 : i32
    %dma_wait3A_471 = arith.constant 0 : i32
    %dma_wait3A_472 = tpu.memref_slice %arg6[%dma_wait3A_470, %dma_wait3A_471] : memref<3072x16xf32, #tpu.memory_space<vmem>> -> memref<128x16xf32, #tpu.memory_space<vmem>>
    %dma_wait3A_473 = arith.constant 0 : i32
    %dma_wait3A_474 = tpu.memref_slice %arg7[%dma_wait3A_469, %dma_wait3A_473] : memref<24x128xi32, #tpu.memory_space<vmem>> -> memref<1x128xi32, #tpu.memory_space<vmem>>
    %dma_wait3A_475 = tpu.memref_squeeze %dma_wait3A_474 : memref<1x128xi32, #tpu.memory_space<vmem>> -> memref<128xi32, #tpu.memory_space<vmem>>
    %dma_wait3A_476 = arith.constant 0 : i32
    %dma_wait3A_477 = arith.constant 0 : i32
    %dma_wait3A_478 = tpu.memref_slice %arg2[%dma_wait3A_476, %dma_wait3A_477] : memref<393216x16xf32, #tpu.memory_space<hbm>> -> memref<393216x16xf32, #tpu.memory_space<hbm>>
    tpu.wait_indirect_dma semaphore(%arg12 : memref<!tpu.dma_semaphore, #tpu.memory_space<semaphore_mem>>) src(%dma_wait3A_478 : memref<393216x16xf32, #tpu.memory_space<hbm>>) dst(%dma_wait3A_472 : memref<128x16xf32, #tpu.memory_space<vmem>>)
    %scan3A = arith.constant 0 : i32
    %scan3A_479 = arith.constant 0 : i32
    %scan3A_480 = arith.constant 64 : i32
    %scan3A_481 = arith.addi %scan3A_479, %scan3A_480 : i32
    %scan3A_482 = arith.constant 1 : i32
    scf.for %scan3A_492 = %scan3A_479 to %scan3A_481 step %scan3A_482  : i32 {
      %mul3A_493 = arith.constant 16 : i32
      %mul3A_494 = arith.muli %scan3A_492, %mul3A_493 : i32
      %get3A = arith.index_cast %mul3A_494 : i32 to index
      %get3A_495 = tpu.vector_load %arg8[%get3A] {strides = array<i32>} : memref<1024xi32, #tpu.memory_space<vmem>>, vector<16xi32>,
      %ge3A = arith.cmpi sge, %iota3A, %get3A_495 : vector<16xi32>
      %add3A_496 = arith.constant 8 : i32
      %add3A_497 = vector.broadcast %add3A_496 : i32 to vector<16xi32>
      %add3A_498 = arith.addi %get3A_495, %add3A_497 : vector<16xi32>
      %lt3A = arith.cmpi slt, %iota3A, %add3A_498 : vector<16xi32>
      %and3A = arith.andi %ge3A, %lt3A : vector<16xi1>
      %sub3A = arith.constant 8 : i32
      %sub3A_499 = vector.broadcast %sub3A : i32 to vector<16xi32>
      %sub3A_500 = arith.subi %get3A_495, %sub3A_499 : vector<16xi32>
      %lt3A_501 = arith.cmpi slt, %iota3A, %sub3A_500 : vector<16xi32>
      %mul3A_502 = arith.constant 48 : i32
      %mul3A_503 = arith.muli %scan3A_492, %mul3A_502 : i32
      %broadcast_in_dim3A = arith.constant 0.000000e+00 : f32
      %broadcast_in_dim3A_504 = vector.broadcast %broadcast_in_dim3A : f32 to vector<16xf32>
      %broadcast_in_dim3A_505 = arith.constant 0.000000e+00 : f32
      %broadcast_in_dim3A_506 = vector.broadcast %broadcast_in_dim3A_505 : f32 to vector<16xf32>
      %broadcast_in_dim3A_507 = arith.constant 0.000000e+00 : f32
      %broadcast_in_dim3A_508 = vector.broadcast %broadcast_in_dim3A_507 : f32 to vector<16xf32>
      %add3A_509 = arith.constant 0 : i32
      %add3A_510 = arith.addi %mul3A_503, %add3A_509 : i32
      %get3A_511 = arith.index_cast %add3A_510 : i32 to index
      %get3A_512 = arith.constant 0 : index
      %get3A_513 = tpu.vector_load %arg6[%get3A_511, %get3A_512] {strides = array<i32>} : memref<3072x16xf32, #tpu.memory_space<vmem>>, vector<16xf32>,
      %select_n3A = arith.select %and3A, %get3A_513, %broadcast_in_dim3A_508 : vector<16xi1>, vector<16xf32>
      %add3A_514 = arith.constant 0 : i32
      %add3A_515 = arith.addi %mul3A_503, %add3A_514 : i32
      %add3A_516 = arith.constant 1 : i32
      %add3A_517 = arith.addi %add3A_515, %add3A_516 : i32
      %get3A_518 = arith.index_cast %add3A_517 : i32 to index
      %get3A_519 = arith.constant 0 : index
      %get3A_520 = tpu.vector_load %arg6[%get3A_518, %get3A_519] {strides = array<i32>} : memref<3072x16xf32, #tpu.memory_space<vmem>>, vector<16xf32>,
      %select_n3A_521 = arith.select %lt3A_501, %get3A_520, %broadcast_in_dim3A_508 : vector<16xi1>, vector<16xf32>
      %add3A_522 = arith.addf %broadcast_in_dim3A_504, %select_n3A : vector<16xf32>
      %add3A_523 = arith.addf %add3A_522, %select_n3A_521 : vector<16xf32>
      %mul3A_524 = arith.mulf %select_n3A, %select_n3A : vector<16xf32>
      %add3A_525 = arith.addf %broadcast_in_dim3A_506, %mul3A_524 : vector<16xf32>
      %mul3A_526 = arith.mulf %select_n3A_521, %select_n3A_521 : vector<16xf32>
      %add3A_527 = arith.addf %add3A_525, %mul3A_526 : vector<16xf32>
      %add3A_528 = arith.constant 2 : i32
      %add3A_529 = arith.addi %mul3A_503, %add3A_528 : i32
      %get3A_530 = arith.index_cast %add3A_529 : i32 to index
      %get3A_531 = arith.constant 0 : index
      %get3A_532 = tpu.vector_load %arg6[%get3A_530, %get3A_531] {strides = array<i32>} : memref<3072x16xf32, #tpu.memory_space<vmem>>, vector<16xf32>,
      %select_n3A_533 = arith.select %and3A, %get3A_532, %broadcast_in_dim3A_508 : vector<16xi1>, vector<16xf32>
      %add3A_534 = arith.constant 2 : i32
      %add3A_535 = arith.addi %mul3A_503, %add3A_534 : i32
      %add3A_536 = arith.constant 1 : i32
      %add3A_537 = arith.addi %add3A_535, %add3A_536 : i32
      %get3A_538 = arith.index_cast %add3A_537 : i32 to index
      %get3A_539 = arith.constant 0 : index
      %get3A_540 = tpu.vector_load %arg6[%get3A_538, %get3A_539] {strides = array<i32>} : memref<3072x16xf32, #tpu.memory_space<vmem>>, vector<16xf32>,
      %select_n3A_541 = arith.select %lt3A_501, %get3A_540, %broadcast_in_dim3A_508 : vector<16xi1>, vector<16xf32>
      %add3A_542 = arith.addf %add3A_523, %select_n3A_533 : vector<16xf32>
      %add3A_543 = arith.addf %add3A_542, %select_n3A_541 : vector<16xf32>
      %mul3A_544 = arith.mulf %select_n3A_533, %select_n3A_533 : vector<16xf32>
      %add3A_545 = arith.addf %add3A_527, %mul3A_544 : vector<16xf32>
      %mul3A_546 = arith.mulf %select_n3A_541, %select_n3A_541 : vector<16xf32>
      %add3A_547 = arith.addf %add3A_545, %mul3A_546 : vector<16xf32>
      %add3A_548 = arith.constant 4 : i32
      %add3A_549 = arith.addi %mul3A_503, %add3A_548 : i32
      %get3A_550 = arith.index_cast %add3A_549 : i32 to index
      %get3A_551 = arith.constant 0 : index
      %get3A_552 = tpu.vector_load %arg6[%get3A_550, %get3A_551] {strides = array<i32>} : memref<3072x16xf32, #tpu.memory_space<vmem>>, vector<16xf32>,
      %select_n3A_553 = arith.select %and3A, %get3A_552, %broadcast_in_dim3A_508 : vector<16xi1>, vector<16xf32>
      %add3A_554 = arith.constant 4 : i32
      %add3A_555 = arith.addi %mul3A_503, %add3A_554 : i32
      %add3A_556 = arith.constant 1 : i32
      %add3A_557 = arith.addi %add3A_555, %add3A_556 : i32
      %get3A_558 = arith.index_cast %add3A_557 : i32 to index
      %get3A_559 = arith.constant 0 : index
      %get3A_560 = tpu.vector_load %arg6[%get3A_558, %get3A_559] {strides = array<i32>} : memref<3072x16xf32, #tpu.memory_space<vmem>>, vector<16xf32>,
      %select_n3A_561 = arith.select %lt3A_501, %get3A_560, %broadcast_in_dim3A_508 : vector<16xi1>, vector<16xf32>
      %add3A_562 = arith.addf %add3A_543, %select_n3A_553 : vector<16xf32>
      %add3A_563 = arith.addf %add3A_562, %select_n3A_561 : vector<16xf32>
      %mul3A_564 = arith.mulf %select_n3A_553, %select_n3A_553 : vector<16xf32>
      %add3A_565 = arith.addf %add3A_547, %mul3A_564 : vector<16xf32>
      %mul3A_566 = arith.mulf %select_n3A_561, %select_n3A_561 : vector<16xf32>
      %add3A_567 = arith.addf %add3A_565, %mul3A_566 : vector<16xf32>
      %add3A_568 = arith.constant 6 : i32
      %add3A_569 = arith.addi %mul3A_503, %add3A_568 : i32
      %get3A_570 = arith.index_cast %add3A_569 : i32 to index
      %get3A_571 = arith.constant 0 : index
      %get3A_572 = tpu.vector_load %arg6[%get3A_570, %get3A_571] {strides = array<i32>} : memref<3072x16xf32, #tpu.memory_space<vmem>>, vector<16xf32>,
      %select_n3A_573 = arith.select %and3A, %get3A_572, %broadcast_in_dim3A_508 : vector<16xi1>, vector<16xf32>
      %add3A_574 = arith.constant 6 : i32
      %add3A_575 = arith.addi %mul3A_503, %add3A_574 : i32
      %add3A_576 = arith.constant 1 : i32
      %add3A_577 = arith.addi %add3A_575, %add3A_576 : i32
      %get3A_578 = arith.index_cast %add3A_577 : i32 to index
      %get3A_579 = arith.constant 0 : index
      %get3A_580 = tpu.vector_load %arg6[%get3A_578, %get3A_579] {strides = array<i32>} : memref<3072x16xf32, #tpu.memory_space<vmem>>, vector<16xf32>,
      %select_n3A_581 = arith.select %lt3A_501, %get3A_580, %broadcast_in_dim3A_508 : vector<16xi1>, vector<16xf32>
      %add3A_582 = arith.addf %add3A_563, %select_n3A_573 : vector<16xf32>
      %add3A_583 = arith.addf %add3A_582, %select_n3A_581 : vector<16xf32>
      %mul3A_584 = arith.mulf %select_n3A_573, %select_n3A_573 : vector<16xf32>
      %add3A_585 = arith.addf %add3A_567, %mul3A_584 : vector<16xf32>
      %mul3A_586 = arith.mulf %select_n3A_581, %select_n3A_581 : vector<16xf32>
      %add3A_587 = arith.addf %add3A_585, %mul3A_586 : vector<16xf32>
      %add3A_588 = arith.constant 8 : i32
      %add3A_589 = arith.addi %mul3A_503, %add3A_588 : i32
      %get3A_590 = arith.index_cast %add3A_589 : i32 to index
      %get3A_591 = arith.constant 0 : index
      %get3A_592 = tpu.vector_load %arg6[%get3A_590, %get3A_591] {strides = array<i32>} : memref<3072x16xf32, #tpu.memory_space<vmem>>, vector<16xf32>,
      %select_n3A_593 = arith.select %and3A, %get3A_592, %broadcast_in_dim3A_508 : vector<16xi1>, vector<16xf32>
      %add3A_594 = arith.constant 8 : i32
      %add3A_595 = arith.addi %mul3A_503, %add3A_594 : i32
      %add3A_596 = arith.constant 1 : i32
      %add3A_597 = arith.addi %add3A_595, %add3A_596 : i32
      %get3A_598 = arith.index_cast %add3A_597 : i32 to index
      %get3A_599 = arith.constant 0 : index
      %get3A_600 = tpu.vector_load %arg6[%get3A_598, %get3A_599] {strides = array<i32>} : memref<3072x16xf32, #tpu.memory_space<vmem>>, vector<16xf32>,
      %select_n3A_601 = arith.select %lt3A_501, %get3A_600, %broadcast_in_dim3A_508 : vector<16xi1>, vector<16xf32>
      %add3A_602 = arith.addf %add3A_583, %select_n3A_593 : vector<16xf32>
      %add3A_603 = arith.addf %add3A_602, %select_n3A_601 : vector<16xf32>
      %mul3A_604 = arith.mulf %select_n3A_593, %select_n3A_593 : vector<16xf32>
      %add3A_605 = arith.addf %add3A_587, %mul3A_604 : vector<16xf32>
      %mul3A_606 = arith.mulf %select_n3A_601, %select_n3A_601 : vector<16xf32>
      %add3A_607 = arith.addf %add3A_605, %mul3A_606 : vector<16xf32>
      %add3A_608 = arith.constant 10 : i32
      %add3A_609 = arith.addi %mul3A_503, %add3A_608 : i32
      %get3A_610 = arith.index_cast %add3A_609 : i32 to index
      %get3A_611 = arith.constant 0 : index
      %get3A_612 = tpu.vector_load %arg6[%get3A_610, %get3A_611] {strides = array<i32>} : memref<3072x16xf32, #tpu.memory_space<vmem>>, vector<16xf32>,
      %select_n3A_613 = arith.select %and3A, %get3A_612, %broadcast_in_dim3A_508 : vector<16xi1>, vector<16xf32>
      %add3A_614 = arith.constant 10 : i32
      %add3A_615 = arith.addi %mul3A_503, %add3A_614 : i32
      %add3A_616 = arith.constant 1 : i32
      %add3A_617 = arith.addi %add3A_615, %add3A_616 : i32
      %get3A_618 = arith.index_cast %add3A_617 : i32 to index
      %get3A_619 = arith.constant 0 : index
      %get3A_620 = tpu.vector_load %arg6[%get3A_618, %get3A_619] {strides = array<i32>} : memref<3072x16xf32, #tpu.memory_space<vmem>>, vector<16xf32>,
      %select_n3A_621 = arith.select %lt3A_501, %get3A_620, %broadcast_in_dim3A_508 : vector<16xi1>, vector<16xf32>
      %add3A_622 = arith.addf %add3A_603, %select_n3A_613 : vector<16xf32>
      %add3A_623 = arith.addf %add3A_622, %select_n3A_621 : vector<16xf32>
      %mul3A_624 = arith.mulf %select_n3A_613, %select_n3A_613 : vector<16xf32>
      %add3A_625 = arith.addf %add3A_607, %mul3A_624 : vector<16xf32>
      %mul3A_626 = arith.mulf %select_n3A_621, %select_n3A_621 : vector<16xf32>
      %add3A_627 = arith.addf %add3A_625, %mul3A_626 : vector<16xf32>
      %add3A_628 = arith.constant 12 : i32
      %add3A_629 = arith.addi %mul3A_503, %add3A_628 : i32
      %get3A_630 = arith.index_cast %add3A_629 : i32 to index
      %get3A_631 = arith.constant 0 : index
      %get3A_632 = tpu.vector_load %arg6[%get3A_630, %get3A_631] {strides = array<i32>} : memref<3072x16xf32, #tpu.memory_space<vmem>>, vector<16xf32>,
      %select_n3A_633 = arith.select %and3A, %get3A_632, %broadcast_in_dim3A_508 : vector<16xi1>, vector<16xf32>
      %add3A_634 = arith.constant 12 : i32
      %add3A_635 = arith.addi %mul3A_503, %add3A_634 : i32
      %add3A_636 = arith.constant 1 : i32
      %add3A_637 = arith.addi %add3A_635, %add3A_636 : i32
      %get3A_638 = arith.index_cast %add3A_637 : i32 to index
      %get3A_639 = arith.constant 0 : index
      %get3A_640 = tpu.vector_load %arg6[%get3A_638, %get3A_639] {strides = array<i32>} : memref<3072x16xf32, #tpu.memory_space<vmem>>, vector<16xf32>,
      %select_n3A_641 = arith.select %lt3A_501, %get3A_640, %broadcast_in_dim3A_508 : vector<16xi1>, vector<16xf32>
      %add3A_642 = arith.addf %add3A_623, %select_n3A_633 : vector<16xf32>
      %add3A_643 = arith.addf %add3A_642, %select_n3A_641 : vector<16xf32>
      %mul3A_644 = arith.mulf %select_n3A_633, %select_n3A_633 : vector<16xf32>
      %add3A_645 = arith.addf %add3A_627, %mul3A_644 : vector<16xf32>
      %mul3A_646 = arith.mulf %select_n3A_641, %select_n3A_641 : vector<16xf32>
      %add3A_647 = arith.addf %add3A_645, %mul3A_646 : vector<16xf32>
      %add3A_648 = arith.constant 14 : i32
      %add3A_649 = arith.addi %mul3A_503, %add3A_648 : i32
      %get3A_650 = arith.index_cast %add3A_649 : i32 to index
      %get3A_651 = arith.constant 0 : index
      %get3A_652 = tpu.vector_load %arg6[%get3A_650, %get3A_651] {strides = array<i32>} : memref<3072x16xf32, #tpu.memory_space<vmem>>, vector<16xf32>,
      %select_n3A_653 = arith.select %and3A, %get3A_652, %broadcast_in_dim3A_508 : vector<16xi1>, vector<16xf32>
      %add3A_654 = arith.constant 14 : i32
      %add3A_655 = arith.addi %mul3A_503, %add3A_654 : i32
      %add3A_656 = arith.constant 1 : i32
      %add3A_657 = arith.addi %add3A_655, %add3A_656 : i32
      %get3A_658 = arith.index_cast %add3A_657 : i32 to index
      %get3A_659 = arith.constant 0 : index
      %get3A_660 = tpu.vector_load %arg6[%get3A_658, %get3A_659] {strides = array<i32>} : memref<3072x16xf32, #tpu.memory_space<vmem>>, vector<16xf32>,
      %select_n3A_661 = arith.select %lt3A_501, %get3A_660, %broadcast_in_dim3A_508 : vector<16xi1>, vector<16xf32>
      %add3A_662 = arith.addf %add3A_643, %select_n3A_653 : vector<16xf32>
      %add3A_663 = arith.addf %add3A_662, %select_n3A_661 : vector<16xf32>
      %mul3A_664 = arith.mulf %select_n3A_653, %select_n3A_653 : vector<16xf32>
      %add3A_665 = arith.addf %add3A_647, %mul3A_664 : vector<16xf32>
      %mul3A_666 = arith.mulf %select_n3A_661, %select_n3A_661 : vector<16xf32>
      %add3A_667 = arith.addf %add3A_665, %mul3A_666 : vector<16xf32>
      %add3A_668 = arith.constant 16 : i32
      %add3A_669 = arith.addi %mul3A_503, %add3A_668 : i32
      %get3A_670 = arith.index_cast %add3A_669 : i32 to index
      %get3A_671 = arith.constant 0 : index
      %get3A_672 = tpu.vector_load %arg6[%get3A_670, %get3A_671] {strides = array<i32>} : memref<3072x16xf32, #tpu.memory_space<vmem>>, vector<16xf32>,
      %select_n3A_673 = arith.select %and3A, %get3A_672, %broadcast_in_dim3A_508 : vector<16xi1>, vector<16xf32>
      %add3A_674 = arith.constant 16 : i32
      %add3A_675 = arith.addi %mul3A_503, %add3A_674 : i32
      %add3A_676 = arith.constant 1 : i32
      %add3A_677 = arith.addi %add3A_675, %add3A_676 : i32
      %get3A_678 = arith.index_cast %add3A_677 : i32 to index
      %get3A_679 = arith.constant 0 : index
      %get3A_680 = tpu.vector_load %arg6[%get3A_678, %get3A_679] {strides = array<i32>} : memref<3072x16xf32, #tpu.memory_space<vmem>>, vector<16xf32>,
      %select_n3A_681 = arith.select %lt3A_501, %get3A_680, %broadcast_in_dim3A_508 : vector<16xi1>, vector<16xf32>
      %add3A_682 = arith.addf %add3A_663, %select_n3A_673 : vector<16xf32>
      %add3A_683 = arith.addf %add3A_682, %select_n3A_681 : vector<16xf32>
      %mul3A_684 = arith.mulf %select_n3A_673, %select_n3A_673 : vector<16xf32>
      %add3A_685 = arith.addf %add3A_667, %mul3A_684 : vector<16xf32>
      %mul3A_686 = arith.mulf %select_n3A_681, %select_n3A_681 : vector<16xf32>
      %add3A_687 = arith.addf %add3A_685, %mul3A_686 : vector<16xf32>
      %add3A_688 = arith.constant 18 : i32
      %add3A_689 = arith.addi %mul3A_503, %add3A_688 : i32
      %get3A_690 = arith.index_cast %add3A_689 : i32 to index
      %get3A_691 = arith.constant 0 : index
      %get3A_692 = tpu.vector_load %arg6[%get3A_690, %get3A_691] {strides = array<i32>} : memref<3072x16xf32, #tpu.memory_space<vmem>>, vector<16xf32>,
      %select_n3A_693 = arith.select %and3A, %get3A_692, %broadcast_in_dim3A_508 : vector<16xi1>, vector<16xf32>
      %add3A_694 = arith.constant 18 : i32
      %add3A_695 = arith.addi %mul3A_503, %add3A_694 : i32
      %add3A_696 = arith.constant 1 : i32
      %add3A_697 = arith.addi %add3A_695, %add3A_696 : i32
      %get3A_698 = arith.index_cast %add3A_697 : i32 to index
      %get3A_699 = arith.constant 0 : index
      %get3A_700 = tpu.vector_load %arg6[%get3A_698, %get3A_699] {strides = array<i32>} : memref<3072x16xf32, #tpu.memory_space<vmem>>, vector<16xf32>,
      %select_n3A_701 = arith.select %lt3A_501, %get3A_700, %broadcast_in_dim3A_508 : vector<16xi1>, vector<16xf32>
      %add3A_702 = arith.addf %add3A_683, %select_n3A_693 : vector<16xf32>
      %add3A_703 = arith.addf %add3A_702, %select_n3A_701 : vector<16xf32>
      %mul3A_704 = arith.mulf %select_n3A_693, %select_n3A_693 : vector<16xf32>
      %add3A_705 = arith.addf %add3A_687, %mul3A_704 : vector<16xf32>
      %mul3A_706 = arith.mulf %select_n3A_701, %select_n3A_701 : vector<16xf32>
      %add3A_707 = arith.addf %add3A_705, %mul3A_706 : vector<16xf32>
      %add3A_708 = arith.constant 20 : i32
      %add3A_709 = arith.addi %mul3A_503, %add3A_708 : i32
      %get3A_710 = arith.index_cast %add3A_709 : i32 to index
      %get3A_711 = arith.constant 0 : index
      %get3A_712 = tpu.vector_load %arg6[%get3A_710, %get3A_711] {strides = array<i32>} : memref<3072x16xf32, #tpu.memory_space<vmem>>, vector<16xf32>,
      %select_n3A_713 = arith.select %and3A, %get3A_712, %broadcast_in_dim3A_508 : vector<16xi1>, vector<16xf32>
      %add3A_714 = arith.constant 20 : i32
      %add3A_715 = arith.addi %mul3A_503, %add3A_714 : i32
      %add3A_716 = arith.constant 1 : i32
      %add3A_717 = arith.addi %add3A_715, %add3A_716 : i32
      %get3A_718 = arith.index_cast %add3A_717 : i32 to index
      %get3A_719 = arith.constant 0 : index
      %get3A_720 = tpu.vector_load %arg6[%get3A_718, %get3A_719] {strides = array<i32>} : memref<3072x16xf32, #tpu.memory_space<vmem>>, vector<16xf32>,
      %select_n3A_721 = arith.select %lt3A_501, %get3A_720, %broadcast_in_dim3A_508 : vector<16xi1>, vector<16xf32>
      %add3A_722 = arith.addf %add3A_703, %select_n3A_713 : vector<16xf32>
      %add3A_723 = arith.addf %add3A_722, %select_n3A_721 : vector<16xf32>
      %mul3A_724 = arith.mulf %select_n3A_713, %select_n3A_713 : vector<16xf32>
      %add3A_725 = arith.addf %add3A_707, %mul3A_724 : vector<16xf32>
      %mul3A_726 = arith.mulf %select_n3A_721, %select_n3A_721 : vector<16xf32>
      %add3A_727 = arith.addf %add3A_725, %mul3A_726 : vector<16xf32>
      %add3A_728 = arith.constant 22 : i32
      %add3A_729 = arith.addi %mul3A_503, %add3A_728 : i32
      %get3A_730 = arith.index_cast %add3A_729 : i32 to index
      %get3A_731 = arith.constant 0 : index
      %get3A_732 = tpu.vector_load %arg6[%get3A_730, %get3A_731] {strides = array<i32>} : memref<3072x16xf32, #tpu.memory_space<vmem>>, vector<16xf32>,
      %select_n3A_733 = arith.select %and3A, %get3A_732, %broadcast_in_dim3A_508 : vector<16xi1>, vector<16xf32>
      %add3A_734 = arith.constant 22 : i32
      %add3A_735 = arith.addi %mul3A_503, %add3A_734 : i32
      %add3A_736 = arith.constant 1 : i32
      %add3A_737 = arith.addi %add3A_735, %add3A_736 : i32
      %get3A_738 = arith.index_cast %add3A_737 : i32 to index
      %get3A_739 = arith.constant 0 : index
      %get3A_740 = tpu.vector_load %arg6[%get3A_738, %get3A_739] {strides = array<i32>} : memref<3072x16xf32, #tpu.memory_space<vmem>>, vector<16xf32>,
      %select_n3A_741 = arith.select %lt3A_501, %get3A_740, %broadcast_in_dim3A_508 : vector<16xi1>, vector<16xf32>
      %add3A_742 = arith.addf %add3A_723, %select_n3A_733 : vector<16xf32>
      %add3A_743 = arith.addf %add3A_742, %select_n3A_741 : vector<16xf32>
      %mul3A_744 = arith.mulf %select_n3A_733, %select_n3A_733 : vector<16xf32>
      %add3A_745 = arith.addf %add3A_727, %mul3A_744 : vector<16xf32>
      %mul3A_746 = arith.mulf %select_n3A_741, %select_n3A_741 : vector<16xf32>
      %add3A_747 = arith.addf %add3A_745, %mul3A_746 : vector<16xf32>
      %add3A_748 = arith.constant 24 : i32
      %add3A_749 = arith.addi %mul3A_503, %add3A_748 : i32
      %get3A_750 = arith.index_cast %add3A_749 : i32 to index
      %get3A_751 = arith.constant 0 : index
      %get3A_752 = tpu.vector_load %arg6[%get3A_750, %get3A_751] {strides = array<i32>} : memref<3072x16xf32, #tpu.memory_space<vmem>>, vector<16xf32>,
      %select_n3A_753 = arith.select %and3A, %get3A_752, %broadcast_in_dim3A_508 : vector<16xi1>, vector<16xf32>
      %add3A_754 = arith.constant 24 : i32
      %add3A_755 = arith.addi %mul3A_503, %add3A_754 : i32
      %add3A_756 = arith.constant 1 : i32
      %add3A_757 = arith.addi %add3A_755, %add3A_756 : i32
      %get3A_758 = arith.index_cast %add3A_757 : i32 to index
      %get3A_759 = arith.constant 0 : index
      %get3A_760 = tpu.vector_load %arg6[%get3A_758, %get3A_759] {strides = array<i32>} : memref<3072x16xf32, #tpu.memory_space<vmem>>, vector<16xf32>,
      %select_n3A_761 = arith.select %lt3A_501, %get3A_760, %broadcast_in_dim3A_508 : vector<16xi1>, vector<16xf32>
      %add3A_762 = arith.addf %add3A_743, %select_n3A_753 : vector<16xf32>
      %add3A_763 = arith.addf %add3A_762, %select_n3A_761 : vector<16xf32>
      %mul3A_764 = arith.mulf %select_n3A_753, %select_n3A_753 : vector<16xf32>
      %add3A_765 = arith.addf %add3A_747, %mul3A_764 : vector<16xf32>
      %mul3A_766 = arith.mulf %select_n3A_761, %select_n3A_761 : vector<16xf32>
      %add3A_767 = arith.addf %add3A_765, %mul3A_766 : vector<16xf32>
      %add3A_768 = arith.constant 26 : i32
      %add3A_769 = arith.addi %mul3A_503, %add3A_768 : i32
      %get3A_770 = arith.index_cast %add3A_769 : i32 to index
      %get3A_771 = arith.constant 0 : index
      %get3A_772 = tpu.vector_load %arg6[%get3A_770, %get3A_771] {strides = array<i32>} : memref<3072x16xf32, #tpu.memory_space<vmem>>, vector<16xf32>,
      %select_n3A_773 = arith.select %and3A, %get3A_772, %broadcast_in_dim3A_508 : vector<16xi1>, vector<16xf32>
      %add3A_774 = arith.constant 26 : i32
      %add3A_775 = arith.addi %mul3A_503, %add3A_774 : i32
      %add3A_776 = arith.constant 1 : i32
      %add3A_777 = arith.addi %add3A_775, %add3A_776 : i32
      %get3A_778 = arith.index_cast %add3A_777 : i32 to index
      %get3A_779 = arith.constant 0 : index
      %get3A_780 = tpu.vector_load %arg6[%get3A_778, %get3A_779] {strides = array<i32>} : memref<3072x16xf32, #tpu.memory_space<vmem>>, vector<16xf32>,
      %select_n3A_781 = arith.select %lt3A_501, %get3A_780, %broadcast_in_dim3A_508 : vector<16xi1>, vector<16xf32>
      %add3A_782 = arith.addf %add3A_763, %select_n3A_773 : vector<16xf32>
      %add3A_783 = arith.addf %add3A_782, %select_n3A_781 : vector<16xf32>
      %mul3A_784 = arith.mulf %select_n3A_773, %select_n3A_773 : vector<16xf32>
      %add3A_785 = arith.addf %add3A_767, %mul3A_784 : vector<16xf32>
      %mul3A_786 = arith.mulf %select_n3A_781, %select_n3A_781 : vector<16xf32>
      %add3A_787 = arith.addf %add3A_785, %mul3A_786 : vector<16xf32>
      %add3A_788 = arith.constant 28 : i32
      %add3A_789 = arith.addi %mul3A_503, %add3A_788 : i32
      %get3A_790 = arith.index_cast %add3A_789 : i32 to index
      %get3A_791 = arith.constant 0 : index
      %get3A_792 = tpu.vector_load %arg6[%get3A_790, %get3A_791] {strides = array<i32>} : memref<3072x16xf32, #tpu.memory_space<vmem>>, vector<16xf32>,
      %select_n3A_793 = arith.select %and3A, %get3A_792, %broadcast_in_dim3A_508 : vector<16xi1>, vector<16xf32>
      %add3A_794 = arith.constant 28 : i32
      %add3A_795 = arith.addi %mul3A_503, %add3A_794 : i32
      %add3A_796 = arith.constant 1 : i32
      %add3A_797 = arith.addi %add3A_795, %add3A_796 : i32
      %get3A_798 = arith.index_cast %add3A_797 : i32 to index
      %get3A_799 = arith.constant 0 : index
      %get3A_800 = tpu.vector_load %arg6[%get3A_798, %get3A_799] {strides = array<i32>} : memref<3072x16xf32, #tpu.memory_space<vmem>>, vector<16xf32>,
      %select_n3A_801 = arith.select %lt3A_501, %get3A_800, %broadcast_in_dim3A_508 : vector<16xi1>, vector<16xf32>
      %add3A_802 = arith.addf %add3A_783, %select_n3A_793 : vector<16xf32>
      %add3A_803 = arith.addf %add3A_802, %select_n3A_801 : vector<16xf32>
      %mul3A_804 = arith.mulf %select_n3A_793, %select_n3A_793 : vector<16xf32>
      %add3A_805 = arith.addf %add3A_787, %mul3A_804 : vector<16xf32>
      %mul3A_806 = arith.mulf %select_n3A_801, %select_n3A_801 : vector<16xf32>
      %add3A_807 = arith.addf %add3A_805, %mul3A_806 : vector<16xf32>
      %add3A_808 = arith.constant 30 : i32
      %add3A_809 = arith.addi %mul3A_503, %add3A_808 : i32
      %get3A_810 = arith.index_cast %add3A_809 : i32 to index
      %get3A_811 = arith.constant 0 : index
      %get3A_812 = tpu.vector_load %arg6[%get3A_810, %get3A_811] {strides = array<i32>} : memref<3072x16xf32, #tpu.memory_space<vmem>>, vector<16xf32>,
      %select_n3A_813 = arith.select %and3A, %get3A_812, %broadcast_in_dim3A_508 : vector<16xi1>, vector<16xf32>
      %add3A_814 = arith.constant 30 : i32
      %add3A_815 = arith.addi %mul3A_503, %add3A_814 : i32
      %add3A_816 = arith.constant 1 : i32
      %add3A_817 = arith.addi %add3A_815, %add3A_816 : i32
      %get3A_818 = arith.index_cast %add3A_817 : i32 to index
      %get3A_819 = arith.constant 0 : index
      %get3A_820 = tpu.vector_load %arg6[%get3A_818, %get3A_819] {strides = array<i32>} : memref<3072x16xf32, #tpu.memory_space<vmem>>, vector<16xf32>,
      %select_n3A_821 = arith.select %lt3A_501, %get3A_820, %broadcast_in_dim3A_508 : vector<16xi1>, vector<16xf32>
      %add3A_822 = arith.addf %add3A_803, %select_n3A_813 : vector<16xf32>
      %add3A_823 = arith.addf %add3A_822, %select_n3A_821 : vector<16xf32>
      %mul3A_824 = arith.mulf %select_n3A_813, %select_n3A_813 : vector<16xf32>
      %add3A_825 = arith.addf %add3A_807, %mul3A_824 : vector<16xf32>
      %mul3A_826 = arith.mulf %select_n3A_821, %select_n3A_821 : vector<16xf32>
      %add3A_827 = arith.addf %add3A_825, %mul3A_826 : vector<16xf32>
      %add3A_828 = arith.constant 32 : i32
      %add3A_829 = arith.addi %mul3A_503, %add3A_828 : i32
      %get3A_830 = arith.index_cast %add3A_829 : i32 to index
      %get3A_831 = arith.constant 0 : index
      %get3A_832 = tpu.vector_load %arg6[%get3A_830, %get3A_831] {strides = array<i32>} : memref<3072x16xf32, #tpu.memory_space<vmem>>, vector<16xf32>,
      %select_n3A_833 = arith.select %and3A, %get3A_832, %broadcast_in_dim3A_508 : vector<16xi1>, vector<16xf32>
      %add3A_834 = arith.constant 32 : i32
      %add3A_835 = arith.addi %mul3A_503, %add3A_834 : i32
      %add3A_836 = arith.constant 1 : i32
      %add3A_837 = arith.addi %add3A_835, %add3A_836 : i32
      %get3A_838 = arith.index_cast %add3A_837 : i32 to index
      %get3A_839 = arith.constant 0 : index
      %get3A_840 = tpu.vector_load %arg6[%get3A_838, %get3A_839] {strides = array<i32>} : memref<3072x16xf32, #tpu.memory_space<vmem>>, vector<16xf32>,
      %select_n3A_841 = arith.select %lt3A_501, %get3A_840, %broadcast_in_dim3A_508 : vector<16xi1>, vector<16xf32>
      %add3A_842 = arith.addf %add3A_823, %select_n3A_833 : vector<16xf32>
      %add3A_843 = arith.addf %add3A_842, %select_n3A_841 : vector<16xf32>
      %mul3A_844 = arith.mulf %select_n3A_833, %select_n3A_833 : vector<16xf32>
      %add3A_845 = arith.addf %add3A_827, %mul3A_844 : vector<16xf32>
      %mul3A_846 = arith.mulf %select_n3A_841, %select_n3A_841 : vector<16xf32>
      %add3A_847 = arith.addf %add3A_845, %mul3A_846 : vector<16xf32>
      %add3A_848 = arith.constant 34 : i32
      %add3A_849 = arith.addi %mul3A_503, %add3A_848 : i32
      %get3A_850 = arith.index_cast %add3A_849 : i32 to index
      %get3A_851 = arith.constant 0 : index
      %get3A_852 = tpu.vector_load %arg6[%get3A_850, %get3A_851] {strides = array<i32>} : memref<3072x16xf32, #tpu.memory_space<vmem>>, vector<16xf32>,
      %select_n3A_853 = arith.select %and3A, %get3A_852, %broadcast_in_dim3A_508 : vector<16xi1>, vector<16xf32>
      %add3A_854 = arith.constant 34 : i32
      %add3A_855 = arith.addi %mul3A_503, %add3A_854 : i32
      %add3A_856 = arith.constant 1 : i32
      %add3A_857 = arith.addi %add3A_855, %add3A_856 : i32
      %get3A_858 = arith.index_cast %add3A_857 : i32 to index
      %get3A_859 = arith.constant 0 : index
      %get3A_860 = tpu.vector_load %arg6[%get3A_858, %get3A_859] {strides = array<i32>} : memref<3072x16xf32, #tpu.memory_space<vmem>>, vector<16xf32>,
      %select_n3A_861 = arith.select %lt3A_501, %get3A_860, %broadcast_in_dim3A_508 : vector<16xi1>, vector<16xf32>
      %add3A_862 = arith.addf %add3A_843, %select_n3A_853 : vector<16xf32>
      %add3A_863 = arith.addf %add3A_862, %select_n3A_861 : vector<16xf32>
      %mul3A_864 = arith.mulf %select_n3A_853, %select_n3A_853 : vector<16xf32>
      %add3A_865 = arith.addf %add3A_847, %mul3A_864 : vector<16xf32>
      %mul3A_866 = arith.mulf %select_n3A_861, %select_n3A_861 : vector<16xf32>
      %add3A_867 = arith.addf %add3A_865, %mul3A_866 : vector<16xf32>
      %add3A_868 = arith.constant 36 : i32
      %add3A_869 = arith.addi %mul3A_503, %add3A_868 : i32
      %get3A_870 = arith.index_cast %add3A_869 : i32 to index
      %get3A_871 = arith.constant 0 : index
      %get3A_872 = tpu.vector_load %arg6[%get3A_870, %get3A_871] {strides = array<i32>} : memref<3072x16xf32, #tpu.memory_space<vmem>>, vector<16xf32>,
      %select_n3A_873 = arith.select %and3A, %get3A_872, %broadcast_in_dim3A_508 : vector<16xi1>, vector<16xf32>
      %add3A_874 = arith.constant 36 : i32
      %add3A_875 = arith.addi %mul3A_503, %add3A_874 : i32
      %add3A_876 = arith.constant 1 : i32
      %add3A_877 = arith.addi %add3A_875, %add3A_876 : i32
      %get3A_878 = arith.index_cast %add3A_877 : i32 to index
      %get3A_879 = arith.constant 0 : index
      %get3A_880 = tpu.vector_load %arg6[%get3A_878, %get3A_879] {strides = array<i32>} : memref<3072x16xf32, #tpu.memory_space<vmem>>, vector<16xf32>,
      %select_n3A_881 = arith.select %lt3A_501, %get3A_880, %broadcast_in_dim3A_508 : vector<16xi1>, vector<16xf32>
      %add3A_882 = arith.addf %add3A_863, %select_n3A_873 : vector<16xf32>
      %add3A_883 = arith.addf %add3A_882, %select_n3A_881 : vector<16xf32>
      %mul3A_884 = arith.mulf %select_n3A_873, %select_n3A_873 : vector<16xf32>
      %add3A_885 = arith.addf %add3A_867, %mul3A_884 : vector<16xf32>
      %mul3A_886 = arith.mulf %select_n3A_881, %select_n3A_881 : vector<16xf32>
      %add3A_887 = arith.addf %add3A_885, %mul3A_886 : vector<16xf32>
      %add3A_888 = arith.constant 38 : i32
      %add3A_889 = arith.addi %mul3A_503, %add3A_888 : i32
      %get3A_890 = arith.index_cast %add3A_889 : i32 to index
      %get3A_891 = arith.constant 0 : index
      %get3A_892 = tpu.vector_load %arg6[%get3A_890, %get3A_891] {strides = array<i32>} : memref<3072x16xf32, #tpu.memory_space<vmem>>, vector<16xf32>,
      %select_n3A_893 = arith.select %and3A, %get3A_892, %broadcast_in_dim3A_508 : vector<16xi1>, vector<16xf32>
      %add3A_894 = arith.constant 38 : i32
      %add3A_895 = arith.addi %mul3A_503, %add3A_894 : i32
      %add3A_896 = arith.constant 1 : i32
      %add3A_897 = arith.addi %add3A_895, %add3A_896 : i32
      %get3A_898 = arith.index_cast %add3A_897 : i32 to index
      %get3A_899 = arith.constant 0 : index
      %get3A_900 = tpu.vector_load %arg6[%get3A_898, %get3A_899] {strides = array<i32>} : memref<3072x16xf32, #tpu.memory_space<vmem>>, vector<16xf32>,
      %select_n3A_901 = arith.select %lt3A_501, %get3A_900, %broadcast_in_dim3A_508 : vector<16xi1>, vector<16xf32>
      %add3A_902 = arith.addf %add3A_883, %select_n3A_893 : vector<16xf32>
      %add3A_903 = arith.addf %add3A_902, %select_n3A_901 : vector<16xf32>
      %mul3A_904 = arith.mulf %select_n3A_893, %select_n3A_893 : vector<16xf32>
      %add3A_905 = arith.addf %add3A_887, %mul3A_904 : vector<16xf32>
      %mul3A_906 = arith.mulf %select_n3A_901, %select_n3A_901 : vector<16xf32>
      %add3A_907 = arith.addf %add3A_905, %mul3A_906 : vector<16xf32>
      %add3A_908 = arith.constant 40 : i32
      %add3A_909 = arith.addi %mul3A_503, %add3A_908 : i32
      %get3A_910 = arith.index_cast %add3A_909 : i32 to index
      %get3A_911 = arith.constant 0 : index
      %get3A_912 = tpu.vector_load %arg6[%get3A_910, %get3A_911] {strides = array<i32>} : memref<3072x16xf32, #tpu.memory_space<vmem>>, vector<16xf32>,
      %select_n3A_913 = arith.select %and3A, %get3A_912, %broadcast_in_dim3A_508 : vector<16xi1>, vector<16xf32>
      %add3A_914 = arith.constant 40 : i32
      %add3A_915 = arith.addi %mul3A_503, %add3A_914 : i32
      %add3A_916 = arith.constant 1 : i32
      %add3A_917 = arith.addi %add3A_915, %add3A_916 : i32
      %get3A_918 = arith.index_cast %add3A_917 : i32 to index
      %get3A_919 = arith.constant 0 : index
      %get3A_920 = tpu.vector_load %arg6[%get3A_918, %get3A_919] {strides = array<i32>} : memref<3072x16xf32, #tpu.memory_space<vmem>>, vector<16xf32>,
      %select_n3A_921 = arith.select %lt3A_501, %get3A_920, %broadcast_in_dim3A_508 : vector<16xi1>, vector<16xf32>
      %add3A_922 = arith.addf %add3A_903, %select_n3A_913 : vector<16xf32>
      %add3A_923 = arith.addf %add3A_922, %select_n3A_921 : vector<16xf32>
      %mul3A_924 = arith.mulf %select_n3A_913, %select_n3A_913 : vector<16xf32>
      %add3A_925 = arith.addf %add3A_907, %mul3A_924 : vector<16xf32>
      %mul3A_926 = arith.mulf %select_n3A_921, %select_n3A_921 : vector<16xf32>
      %add3A_927 = arith.addf %add3A_925, %mul3A_926 : vector<16xf32>
      %add3A_928 = arith.constant 42 : i32
      %add3A_929 = arith.addi %mul3A_503, %add3A_928 : i32
      %get3A_930 = arith.index_cast %add3A_929 : i32 to index
      %get3A_931 = arith.constant 0 : index
      %get3A_932 = tpu.vector_load %arg6[%get3A_930, %get3A_931] {strides = array<i32>} : memref<3072x16xf32, #tpu.memory_space<vmem>>, vector<16xf32>,
      %select_n3A_933 = arith.select %and3A, %get3A_932, %broadcast_in_dim3A_508 : vector<16xi1>, vector<16xf32>
      %add3A_934 = arith.constant 42 : i32
      %add3A_935 = arith.addi %mul3A_503, %add3A_934 : i32
      %add3A_936 = arith.constant 1 : i32
      %add3A_937 = arith.addi %add3A_935, %add3A_936 : i32
      %get3A_938 = arith.index_cast %add3A_937 : i32 to index
      %get3A_939 = arith.constant 0 : index
      %get3A_940 = tpu.vector_load %arg6[%get3A_938, %get3A_939] {strides = array<i32>} : memref<3072x16xf32, #tpu.memory_space<vmem>>, vector<16xf32>,
      %select_n3A_941 = arith.select %lt3A_501, %get3A_940, %broadcast_in_dim3A_508 : vector<16xi1>, vector<16xf32>
      %add3A_942 = arith.addf %add3A_923, %select_n3A_933 : vector<16xf32>
      %add3A_943 = arith.addf %add3A_942, %select_n3A_941 : vector<16xf32>
      %mul3A_944 = arith.mulf %select_n3A_933, %select_n3A_933 : vector<16xf32>
      %add3A_945 = arith.addf %add3A_927, %mul3A_944 : vector<16xf32>
      %mul3A_946 = arith.mulf %select_n3A_941, %select_n3A_941 : vector<16xf32>
      %add3A_947 = arith.addf %add3A_945, %mul3A_946 : vector<16xf32>
      %add3A_948 = arith.constant 44 : i32
      %add3A_949 = arith.addi %mul3A_503, %add3A_948 : i32
      %get3A_950 = arith.index_cast %add3A_949 : i32 to index
      %get3A_951 = arith.constant 0 : index
      %get3A_952 = tpu.vector_load %arg6[%get3A_950, %get3A_951] {strides = array<i32>} : memref<3072x16xf32, #tpu.memory_space<vmem>>, vector<16xf32>,
      %select_n3A_953 = arith.select %and3A, %get3A_952, %broadcast_in_dim3A_508 : vector<16xi1>, vector<16xf32>
      %add3A_954 = arith.constant 44 : i32
      %add3A_955 = arith.addi %mul3A_503, %add3A_954 : i32
      %add3A_956 = arith.constant 1 : i32
      %add3A_957 = arith.addi %add3A_955, %add3A_956 : i32
      %get3A_958 = arith.index_cast %add3A_957 : i32 to index
      %get3A_959 = arith.constant 0 : index
      %get3A_960 = tpu.vector_load %arg6[%get3A_958, %get3A_959] {strides = array<i32>} : memref<3072x16xf32, #tpu.memory_space<vmem>>, vector<16xf32>,
      %select_n3A_961 = arith.select %lt3A_501, %get3A_960, %broadcast_in_dim3A_508 : vector<16xi1>, vector<16xf32>
      %add3A_962 = arith.addf %add3A_943, %select_n3A_953 : vector<16xf32>
      %add3A_963 = arith.addf %add3A_962, %select_n3A_961 : vector<16xf32>
      %mul3A_964 = arith.mulf %select_n3A_953, %select_n3A_953 : vector<16xf32>
      %add3A_965 = arith.addf %add3A_947, %mul3A_964 : vector<16xf32>
      %mul3A_966 = arith.mulf %select_n3A_961, %select_n3A_961 : vector<16xf32>
      %add3A_967 = arith.addf %add3A_965, %mul3A_966 : vector<16xf32>
      %add3A_968 = arith.constant 46 : i32
      %add3A_969 = arith.addi %mul3A_503, %add3A_968 : i32
      %get3A_970 = arith.index_cast %add3A_969 : i32 to index
      %get3A_971 = arith.constant 0 : index
      %get3A_972 = tpu.vector_load %arg6[%get3A_970, %get3A_971] {strides = array<i32>} : memref<3072x16xf32, #tpu.memory_space<vmem>>, vector<16xf32>,
      %select_n3A_973 = arith.select %and3A, %get3A_972, %broadcast_in_dim3A_508 : vector<16xi1>, vector<16xf32>
      %add3A_974 = arith.constant 46 : i32
      %add3A_975 = arith.addi %mul3A_503, %add3A_974 : i32
      %add3A_976 = arith.constant 1 : i32
      %add3A_977 = arith.addi %add3A_975, %add3A_976 : i32
      %get3A_978 = arith.index_cast %add3A_977 : i32 to index
      %get3A_979 = arith.constant 0 : index
      %get3A_980 = tpu.vector_load %arg6[%get3A_978, %get3A_979] {strides = array<i32>} : memref<3072x16xf32, #tpu.memory_space<vmem>>, vector<16xf32>,
      %select_n3A_981 = arith.select %lt3A_501, %get3A_980, %broadcast_in_dim3A_508 : vector<16xi1>, vector<16xf32>
      %add3A_982 = arith.addf %add3A_963, %select_n3A_973 : vector<16xf32>
      %add3A_983 = arith.addf %add3A_982, %select_n3A_981 : vector<16xf32>
      %mul3A_984 = arith.mulf %select_n3A_973, %select_n3A_973 : vector<16xf32>
      %add3A_985 = arith.addf %add3A_967, %mul3A_984 : vector<16xf32>
      %mul3A_986 = arith.mulf %select_n3A_981, %select_n3A_981 : vector<16xf32>
      %add3A_987 = arith.addf %add3A_985, %mul3A_986 : vector<16xf32>
      %mul3A_988 = arith.constant 16 : i32
      %mul3A_989 = arith.muli %scan3A_492, %mul3A_988 : i32
      %swap3A = arith.index_cast %mul3A_989 : i32 to index
      %swap3A_990 = tpu.vector_load %arg9[%swap3A] {strides = array<i32>} : memref<1024xf32, #tpu.memory_space<vmem>>, vector<16xf32>,
      tpu.vector_store %arg9[%swap3A], %add3A_983 {strides = array<i32>} : memref<1024xf32, #tpu.memory_space<vmem>>, vector<16xf32>,
      %mul3A_991 = arith.constant 16 : i32
      %mul3A_992 = arith.muli %scan3A_492, %mul3A_991 : i32
      %swap3A_993 = arith.index_cast %mul3A_992 : i32 to index
      %swap3A_994 = tpu.vector_load %arg10[%swap3A_993] {strides = array<i32>} : memref<1024xf32, #tpu.memory_space<vmem>>, vector<16xf32>,
      tpu.vector_store %arg10[%swap3A_993], %add3A_987 {strides = array<i32>} : memref<1024xf32, #tpu.memory_space<vmem>>, vector<16xf32>,
    }
    %scan3A_483 = arith.constant 64 : i32
    %shift_left3A = arith.constant 4 : i32
    %shift_left3A_484 = vector.broadcast %shift_left3A : i32 to vector<16xi32>
    %shift_left3A_485 = arith.shli %iota3A, %shift_left3A_484 : vector<16xi32>
    %scan3A_486 = arith.constant 0 : i32
    %scan3A_487 = arith.constant 0 : i32
    %scan3A_488 = arith.constant 4 : i32
    %scan3A_489 = arith.addi %scan3A_487, %scan3A_488 : i32
    %scan3A_490 = arith.constant 1 : i32
    scf.for %scan3A_492 = %scan3A_487 to %scan3A_489 step %scan3A_490  : i32 {
      %broadcast_in_dim3A = arith.constant 0.000000e+00 : f32
      %broadcast_in_dim3A_493 = vector.broadcast %broadcast_in_dim3A : f32 to vector<16xf32>
      %scan3A_494 = arith.constant 0 : i32
      %scan3A_495 = arith.constant 16 : i32
      %scan3A_496 = arith.addi %scan3A_494, %scan3A_495 : i32
      %scan3A_497 = arith.constant 1 : i32
      %scan3A_498 = scf.for %scan3A_524 = %scan3A_494 to %scan3A_496 step %scan3A_497 iter_args(%scan3A_525 = %broadcast_in_dim3A_493) -> (vector<16xf32>)  : i32 {
        %mul3A_526 = arith.constant 256 : i32
        %mul3A_527 = arith.muli %scan3A_492, %mul3A_526 : i32
        %add3A_528 = arith.addi %mul3A_527, %scan3A_524 : i32
        %add3A_529 = vector.broadcast %add3A_528 : i32 to vector<16xi32>
        %add3A_530 = arith.addi %shift_left3A_485, %add3A_529 : vector<16xi32>
        %gather3A = tpu.vector_load_idx %arg9[%add3A_530] : memref<1024xf32, #tpu.memory_space<vmem>>[vector<16xi32>], vector<16xf32>,
        %add3A_531 = arith.addf %scan3A_525, %gather3A : vector<16xf32>
        scf.yield %add3A_531 : vector<16xf32>
      }
      %scan3A_499 = arith.constant 16 : i32
      %broadcast_in_dim3A_500 = arith.constant 0.000000e+00 : f32
      %broadcast_in_dim3A_501 = vector.broadcast %broadcast_in_dim3A_500 : f32 to vector<16xf32>
      %scan3A_502 = arith.constant 0 : i32
      %scan3A_503 = arith.constant 16 : i32
      %scan3A_504 = arith.addi %scan3A_502, %scan3A_503 : i32
      %scan3A_505 = arith.constant 1 : i32
      %scan3A_506 = scf.for %scan3A_524 = %scan3A_502 to %scan3A_504 step %scan3A_505 iter_args(%scan3A_525 = %broadcast_in_dim3A_501) -> (vector<16xf32>)  : i32 {
        %mul3A_526 = arith.constant 256 : i32
        %mul3A_527 = arith.muli %scan3A_492, %mul3A_526 : i32
        %add3A_528 = arith.addi %mul3A_527, %scan3A_524 : i32
        %add3A_529 = vector.broadcast %add3A_528 : i32 to vector<16xi32>
        %add3A_530 = arith.addi %shift_left3A_485, %add3A_529 : vector<16xi32>
        %gather3A = tpu.vector_load_idx %arg10[%add3A_530] : memref<1024xf32, #tpu.memory_space<vmem>>[vector<16xi32>], vector<16xf32>,
        %add3A_531 = arith.addf %scan3A_525, %gather3A : vector<16xf32>
        scf.yield %add3A_531 : vector<16xf32>
      }
      %scan3A_507 = arith.constant 16 : i32
      %mul3A_508 = arith.constant 0.00520833349 : f32
      %mul3A_509 = vector.broadcast %mul3A_508 : f32 to vector<16xf32>
      %mul3A_510 = arith.mulf %scan3A_498, %mul3A_509 : vector<16xf32>
      %mul3A_511 = arith.mulf %scan3A_498, %mul3A_510 : vector<16xf32>
      %sub3A = arith.subf %scan3A_506, %mul3A_511 : vector<16xf32>
      %mul3A_512 = arith.constant 0.00523560215 : f32
      %mul3A_513 = vector.broadcast %mul3A_512 : f32 to vector<16xf32>
      %mul3A_514 = arith.mulf %sub3A, %mul3A_513 : vector<16xf32>
      %mul3A_515 = arith.constant 16 : i32
      %mul3A_516 = arith.muli %scan3A_492, %mul3A_515 : i32
      %swap3A = arith.index_cast %mul3A_516 : i32 to index
      %swap3A_517 = tpu.vector_load %arg11[%swap3A] {strides = array<i32>} : memref<128xf32, #tpu.memory_space<vmem>>, vector<16xf32>,
      tpu.vector_store %arg11[%swap3A], %mul3A_510 {strides = array<i32>} : memref<128xf32, #tpu.memory_space<vmem>>, vector<16xf32>,
      %mul3A_518 = arith.constant 16 : i32
      %mul3A_519 = arith.muli %scan3A_492, %mul3A_518 : i32
      %add3A_520 = arith.constant 64 : i32
      %add3A_521 = arith.addi %add3A_520, %mul3A_519 : i32
      %swap3A_522 = arith.index_cast %add3A_521 : i32 to index
      %swap3A_523 = tpu.vector_load %arg11[%swap3A_522] {strides = array<i32>} : memref<128xf32, #tpu.memory_space<vmem>>, vector<16xf32>,
      tpu.vector_store %arg11[%swap3A_522], %mul3A_514 {strides = array<i32>} : memref<128xf32, #tpu.memory_space<vmem>>, vector<16xf32>,
    }
    %scan3A_491 = arith.constant 4 : i32
    "tpu.region"() ({
      %run_scoped3A = tpu.sem_alloc : memref<!tpu.dma_semaphore, #tpu.memory_space<semaphore_mem>>
      %dma_start3A_492 = arith.constant 0 : i32
      %dma_start3A_493 = tpu.memref_slice %arg5[%add3A, %dma_start3A_492] : memref<32x128xf32, #tpu.memory_space<hbm>> -> memref<1x128xf32, #tpu.memory_space<hbm>>
      %dma_start3A_494 = tpu.memref_squeeze %dma_start3A_493 : memref<1x128xf32, #tpu.memory_space<hbm>> -> memref<128xf32, #tpu.memory_space<hbm>>
      %dma_start3A_495 = arith.constant 0 : i32
      %dma_start3A_496 = tpu.memref_slice %arg5[%add3A, %dma_start3A_495] : memref<32x128xf32, #tpu.memory_space<hbm>> -> memref<1x128xf32, #tpu.memory_space<hbm>>
      %dma_start3A_497 = tpu.memref_squeeze %dma_start3A_496 : memref<1x128xf32, #tpu.memory_space<hbm>> -> memref<128xf32, #tpu.memory_space<hbm>>
      tpu.enqueue_dma source(%arg11 : memref<128xf32, #tpu.memory_space<vmem>>) target(%dma_start3A_497 : memref<128xf32, #tpu.memory_space<hbm>>) target_semaphore(%run_scoped3A : memref<!tpu.dma_semaphore, #tpu.memory_space<semaphore_mem>>)
      %dma_wait3A_498 = arith.constant 0 : i32
      %dma_wait3A_499 = tpu.memref_slice %arg5[%add3A, %dma_wait3A_498] : memref<32x128xf32, #tpu.memory_space<hbm>> -> memref<1x128xf32, #tpu.memory_space<hbm>>
      %dma_wait3A_500 = tpu.memref_squeeze %dma_wait3A_499 : memref<1x128xf32, #tpu.memory_space<hbm>> -> memref<128xf32, #tpu.memory_space<hbm>>
      %dma_wait3A_501 = arith.constant 0 : i32
      %dma_wait3A_502 = tpu.memref_slice %arg5[%add3A, %dma_wait3A_501] : memref<32x128xf32, #tpu.memory_space<hbm>> -> memref<1x128xf32, #tpu.memory_space<hbm>>
      %dma_wait3A_503 = tpu.memref_squeeze %dma_wait3A_502 : memref<1x128xf32, #tpu.memory_space<hbm>> -> memref<128xf32, #tpu.memory_space<hbm>>
      tpu.wait_dma2 semaphore(%run_scoped3A : memref<!tpu.dma_semaphore, #tpu.memory_space<semaphore_mem>>) src(%arg11 : memref<128xf32, #tpu.memory_space<vmem>>) dst(%dma_wait3A_503 : memref<128xf32, #tpu.memory_space<hbm>>)
      tpu.yield
    }) : () -> ()
    return
  }
}

module attributes {stable_mosaic.version = 14 : i64} {
  func.func @_tc_body(%arg0: i32, %arg1: memref<1x3x512x512xf32, #tpu.memory_space<vmem>>, %arg2: memref<1x1x256xi32, #tpu.memory_space<vmem>>, %arg3: memref<1x1x256xi32, #tpu.memory_space<vmem>>, %arg4: memref<1x2x256xf32, #tpu.memory_space<vmem>>) attributes {dimension_semantics = [#tpu.dimension_semantics<arbitrary>], iteration_bounds = array<i64: 8>, scalar_prefetch = 0 : i64, scratch_operands = 0 : i64, tpu.core_type = #tpu.core_type<tc>, window_params = [{transform_indices = @transform_0, window_bounds = array<i64: 1, 3, 512, 512>}, {transform_indices = @transform_1, window_bounds = array<i64: 1, 1, 256>}, {transform_indices = @transform_2, window_bounds = array<i64: 1, 1, 256>}, {transform_indices = @transform_3, window_bounds = array<i64: 1, 2, 256>}]} {
    %get3A = arith.constant 0 : index
    %get3A_0 = arith.constant 0 : index
    %get3A_1 = arith.constant 0 : index
    %get3A_2 = arith.constant 0 : index
    %get3A_3 = vector.load %arg1[%get3A, %get3A_0, %get3A_1, %get3A_2] : memref<1x3x512x512xf32, #tpu.memory_space<vmem>>, vector<1x1x512x512xf32>
    %get3A_4 = vector.shape_cast %get3A_3 : vector<1x1x512x512xf32> to vector<512x512xf32>
    %get3A_5 = arith.constant 0 : index
    %get3A_6 = arith.constant 1 : index
    %get3A_7 = arith.constant 0 : index
    %get3A_8 = arith.constant 0 : index
    %get3A_9 = vector.load %arg1[%get3A_5, %get3A_6, %get3A_7, %get3A_8] : memref<1x3x512x512xf32, #tpu.memory_space<vmem>>, vector<1x1x512x512xf32>
    %get3A_10 = vector.shape_cast %get3A_9 : vector<1x1x512x512xf32> to vector<512x512xf32>
    %get3A_11 = arith.constant 0 : index
    %get3A_12 = arith.constant 2 : index
    %get3A_13 = arith.constant 0 : index
    %get3A_14 = arith.constant 0 : index
    %get3A_15 = vector.load %arg1[%get3A_11, %get3A_12, %get3A_13, %get3A_14] : memref<1x3x512x512xf32, #tpu.memory_space<vmem>>, vector<1x1x512x512xf32>
    %get3A_16 = vector.shape_cast %get3A_15 : vector<1x1x512x512xf32> to vector<512x512xf32>
    %add3A = arith.addf %get3A_4, %get3A_10 : vector<512x512xf32>
    %add3A_17 = arith.addf %add3A, %get3A_16 : vector<512x512xf32>
    %mul3A = arith.mulf %get3A_4, %get3A_4 : vector<512x512xf32>
    %mul3A_18 = arith.mulf %get3A_10, %get3A_10 : vector<512x512xf32>
    %add3A_19 = arith.addf %mul3A, %mul3A_18 : vector<512x512xf32>
    %mul3A_20 = arith.mulf %get3A_16, %get3A_16 : vector<512x512xf32>
    %add3A_21 = arith.addf %add3A_19, %mul3A_20 : vector<512x512xf32>
    %iota3A = tpu.iota {dimensions = array<i32: 1>} : vector<256x512xi32>
    %get3A_22 = arith.constant 0 : index
    %get3A_23 = arith.constant 0 : index
    %get3A_24 = arith.constant 0 : index
    %get3A_25 = vector.load %arg2[%get3A_22, %get3A_23, %get3A_24] : memref<1x1x256xi32, #tpu.memory_space<vmem>>, vector<1x1x256xi32>
    %get3A_26 = vector.shape_cast %get3A_25 : vector<1x1x256xi32> to vector<256xi32>
    %broadcast_in_dim3A = vector.shape_cast %get3A_26 : vector<256xi32> to vector<256x1xi32>
    %get3A_27 = arith.constant 0 : index
    %get3A_28 = arith.constant 0 : index
    %get3A_29 = arith.constant 0 : index
    %get3A_30 = vector.load %arg3[%get3A_27, %get3A_28, %get3A_29] : memref<1x1x256xi32, #tpu.memory_space<vmem>>, vector<1x1x256xi32>
    %get3A_31 = vector.shape_cast %get3A_30 : vector<1x1x256xi32> to vector<256xi32>
    %broadcast_in_dim3A_32 = vector.shape_cast %get3A_31 : vector<256xi32> to vector<256x1xi32>
    %ge3A = vector.broadcast %broadcast_in_dim3A : vector<256x1xi32> to vector<256x512xi32>
    %ge3A_33 = arith.cmpi sge, %iota3A, %ge3A : vector<256x512xi32>
    %add3A_34 = arith.constant 8 : i32
    %add3A_35 = vector.broadcast %add3A_34 : i32 to vector<256x1xi32>
    %add3A_36 = arith.addi %broadcast_in_dim3A, %add3A_35 : vector<256x1xi32>
    %lt3A = vector.broadcast %add3A_36 : vector<256x1xi32> to vector<256x512xi32>
    %lt3A_37 = arith.cmpi slt, %iota3A, %lt3A : vector<256x512xi32>
    %and3A = arith.andi %ge3A_33, %lt3A_37 : vector<256x512xi1>
    %convert_element_type3A = arith.extui %and3A : vector<256x512xi1> to vector<256x512xi32>
    %convert_element_type3A_38 = arith.sitofp %convert_element_type3A : vector<256x512xi32> to vector<256x512xf32>
    %convert_element_type3A_39 = arith.truncf %convert_element_type3A_38 : vector<256x512xf32> to vector<256x512xbf16>
    %ge3A_40 = vector.broadcast %broadcast_in_dim3A_32 : vector<256x1xi32> to vector<256x512xi32>
    %ge3A_41 = arith.cmpi sge, %iota3A, %ge3A_40 : vector<256x512xi32>
    %add3A_42 = arith.constant 8 : i32
    %add3A_43 = vector.broadcast %add3A_42 : i32 to vector<256x1xi32>
    %add3A_44 = arith.addi %broadcast_in_dim3A_32, %add3A_43 : vector<256x1xi32>
    %lt3A_45 = vector.broadcast %add3A_44 : vector<256x1xi32> to vector<256x512xi32>
    %lt3A_46 = arith.cmpi slt, %iota3A, %lt3A_45 : vector<256x512xi32>
    %and3A_47 = arith.andi %ge3A_41, %lt3A_46 : vector<256x512xi1>
    %convert_element_type3A_48 = arith.extui %and3A_47 : vector<256x512xi1> to vector<256x512xi32>
    %convert_element_type3A_49 = arith.sitofp %convert_element_type3A_48 : vector<256x512xi32> to vector<256x512xf32>
    %convert_element_type3A_50 = arith.truncf %add3A_17 : vector<512x512xf32> to vector<512x512xbf16>
    %convert_element_type3A_51 = arith.extf %convert_element_type3A_50 : vector<512x512xbf16> to vector<512x512xf32>
    %sub3A = arith.subf %add3A_17, %convert_element_type3A_51 : vector<512x512xf32>
    %convert_element_type3A_52 = arith.truncf %sub3A : vector<512x512xf32> to vector<512x512xbf16>
    %dot_general3A = arith.constant dense<0.000000e+00> : vector<256x512xf32>
    %dot_general3A_53 = tpu.matmul %convert_element_type3A_39, %convert_element_type3A_50, %dot_general3A {dimension_numbers = #tpu.dot_dimension_numbers<[1], [0], [0], [1], [0, 0, 1, 1], [], []>, transpose_lhs_hint = false} : vector<256x512xbf16>, vector<512x512xbf16>, vector<256x512xf32> -> vector<256x512xf32>
    %dot_general3A_54 = arith.constant dense<0.000000e+00> : vector<256x512xf32>
    %dot_general3A_55 = tpu.matmul %convert_element_type3A_39, %convert_element_type3A_52, %dot_general3A_54 {dimension_numbers = #tpu.dot_dimension_numbers<[1], [0], [0], [1], [0, 0, 1, 1], [], []>, transpose_lhs_hint = false} : vector<256x512xbf16>, vector<512x512xbf16>, vector<256x512xf32> -> vector<256x512xf32>
    %add3A_56 = arith.addf %dot_general3A_53, %dot_general3A_55 : vector<256x512xf32>
    %mul3A_57 = arith.mulf %add3A_56, %convert_element_type3A_49 : vector<256x512xf32>
    %reduce_sum3A = arith.constant dense<0.000000e+00> : vector<256xf32>
    %reduce_sum3A_58 = vector.multi_reduction <add>, %mul3A_57, %reduce_sum3A [1] : vector<256x512xf32> to vector<256xf32>
    %convert_element_type3A_59 = arith.truncf %add3A_21 : vector<512x512xf32> to vector<512x512xbf16>
    %convert_element_type3A_60 = arith.extf %convert_element_type3A_59 : vector<512x512xbf16> to vector<512x512xf32>
    %sub3A_61 = arith.subf %add3A_21, %convert_element_type3A_60 : vector<512x512xf32>
    %convert_element_type3A_62 = arith.truncf %sub3A_61 : vector<512x512xf32> to vector<512x512xbf16>
    %dot_general3A_63 = arith.constant dense<0.000000e+00> : vector<256x512xf32>
    %dot_general3A_64 = tpu.matmul %convert_element_type3A_39, %convert_element_type3A_59, %dot_general3A_63 {dimension_numbers = #tpu.dot_dimension_numbers<[1], [0], [0], [1], [0, 0, 1, 1], [], []>, transpose_lhs_hint = false} : vector<256x512xbf16>, vector<512x512xbf16>, vector<256x512xf32> -> vector<256x512xf32>
    %dot_general3A_65 = arith.constant dense<0.000000e+00> : vector<256x512xf32>
    %dot_general3A_66 = tpu.matmul %convert_element_type3A_39, %convert_element_type3A_62, %dot_general3A_65 {dimension_numbers = #tpu.dot_dimension_numbers<[1], [0], [0], [1], [0, 0, 1, 1], [], []>, transpose_lhs_hint = false} : vector<256x512xbf16>, vector<512x512xbf16>, vector<256x512xf32> -> vector<256x512xf32>
    %add3A_67 = arith.addf %dot_general3A_64, %dot_general3A_66 : vector<256x512xf32>
    %mul3A_68 = arith.mulf %add3A_67, %convert_element_type3A_49 : vector<256x512xf32>
    %reduce_sum3A_69 = arith.constant dense<0.000000e+00> : vector<256xf32>
    %reduce_sum3A_70 = vector.multi_reduction <add>, %mul3A_68, %reduce_sum3A_69 [1] : vector<256x512xf32> to vector<256xf32>
    %div3A = arith.constant 1.920000e+02 : f32
    %div3A_71 = vector.broadcast %div3A : f32 to vector<256xf32>
    %div3A_72 = arith.divf %reduce_sum3A_58, %div3A_71 : vector<256xf32>
    %mul3A_73 = arith.mulf %reduce_sum3A_58, %reduce_sum3A_58 : vector<256xf32>
    %div3A_74 = arith.constant 1.920000e+02 : f32
    %div3A_75 = vector.broadcast %div3A_74 : f32 to vector<256xf32>
    %div3A_76 = arith.divf %mul3A_73, %div3A_75 : vector<256xf32>
    %sub3A_77 = arith.subf %reduce_sum3A_70, %div3A_76 : vector<256xf32>
    %div3A_78 = arith.constant 1.910000e+02 : f32
    %div3A_79 = vector.broadcast %div3A_78 : f32 to vector<256xf32>
    %div3A_80 = arith.divf %sub3A_77, %div3A_79 : vector<256xf32>
    %swap3A = arith.constant 0 : index
    %swap3A_81 = arith.constant 0 : index
    %swap3A_82 = arith.constant 0 : index
    %swap3A_83 = vector.load %arg4[%swap3A, %swap3A_81, %swap3A_82] : memref<1x2x256xf32, #tpu.memory_space<vmem>>, vector<1x1x256xf32>
    %swap3A_84 = vector.shape_cast %swap3A_83 : vector<1x1x256xf32> to vector<256xf32>
    %swap3A_85 = vector.shape_cast %div3A_72 : vector<256xf32> to vector<1x1x256xf32>
    tpu.vector_store %arg4[%swap3A, %swap3A_81, %swap3A_82], %swap3A_85 {strides = array<i32>} : memref<1x2x256xf32, #tpu.memory_space<vmem>>, vector<1x1x256xf32>,
    %swap3A_86 = arith.constant 0 : index
    %swap3A_87 = arith.constant 1 : index
    %swap3A_88 = arith.constant 0 : index
    %swap3A_89 = vector.load %arg4[%swap3A_86, %swap3A_87, %swap3A_88] : memref<1x2x256xf32, #tpu.memory_space<vmem>>, vector<1x1x256xf32>
    %swap3A_90 = vector.shape_cast %swap3A_89 : vector<1x1x256xf32> to vector<256xf32>
    %swap3A_91 = vector.shape_cast %div3A_80 : vector<256xf32> to vector<1x1x256xf32>
    tpu.vector_store %arg4[%swap3A_86, %swap3A_87, %swap3A_88], %swap3A_91 {strides = array<i32>} : memref<1x2x256xf32, #tpu.memory_space<vmem>>, vector<1x1x256xf32>,
    return
  }
  func.func @transform_0(%arg0: i32) -> (i32, i32, i32, i32) {
    %c0_i32 = arith.constant 0 : i32
    %c0_i32_0 = arith.constant 0 : i32
    %c0_i32_1 = arith.constant 0 : i32
    %c0_i32_2 = arith.constant 0 : i32
    return %arg0, %c0_i32, %c0_i32_0, %c0_i32_1 : i32, i32, i32, i32
  }
  func.func @transform_1(%arg0: i32) -> (i32, i32, i32) {
    %c0_i32 = arith.constant 0 : i32
    %c0_i32_0 = arith.constant 0 : i32
    %c0_i32_1 = arith.constant 0 : i32
    return %arg0, %c0_i32, %c0_i32_0 : i32, i32, i32
  }
  func.func @transform_2(%arg0: i32) -> (i32, i32, i32) {
    %c0_i32 = arith.constant 0 : i32
    %c0_i32_0 = arith.constant 0 : i32
    %c0_i32_1 = arith.constant 0 : i32
    return %arg0, %c0_i32, %c0_i32_0 : i32, i32, i32
  }
  func.func @transform_3(%arg0: i32) -> (i32, i32, i32) {
    %c0_i32 = arith.constant 0 : i32
    %c0_i32_0 = arith.constant 0 : i32
    %c0_i32_1 = arith.constant 0 : i32
    return %arg0, %c0_i32, %c0_i32_0 : i32, i32, i32
  }
}

module attributes {stable_mosaic.version = 14 : i64} {
  func.func @_relin_body(%arg0: i32, %arg1: memref<1024x512xf32, #tpu.memory_space<vmem>>, %arg2: memref<4096x128xf32, #tpu.memory_space<vmem>>) attributes {dimension_semantics = [#tpu.dimension_semantics<arbitrary>], iteration_bounds = array<i64: 12>, scalar_prefetch = 0 : i64, scratch_operands = 0 : i64, tpu.core_type = #tpu.core_type<tc>, window_params = [{transform_indices = @transform_0, window_bounds = array<i64: 1024, 512>}, {transform_indices = @transform_1, window_bounds = array<i64: 4096, 128>}]} {
    %get3A = arith.constant 0 : index
    %get3A_0 = arith.constant 0 : index
    %get3A_1 = vector.load %arg1[%get3A, %get3A_0] : memref<1024x512xf32, #tpu.memory_space<vmem>>, vector<1024x512xf32>
    %reshape3A = vector.shape_cast %get3A_1 : vector<1024x512xf32> to vector<4096x128xf32>
    %swap3A = arith.constant 0 : index
    %swap3A_2 = arith.constant 0 : index
    %swap3A_3 = vector.load %arg2[%swap3A, %swap3A_2] : memref<4096x128xf32, #tpu.memory_space<vmem>>, vector<4096x128xf32>
    tpu.vector_store %arg2[%swap3A, %swap3A_2], %reshape3A {strides = array<i32>} : memref<4096x128xf32, #tpu.memory_space<vmem>>, vector<4096x128xf32>,
    return
  }
  func.func @transform_0(%arg0: i32) -> (i32, i32) {
    %c0_i32 = arith.constant 0 : i32
    %c0_i32_0 = arith.constant 0 : i32
    return %arg0, %c0_i32 : i32, i32
  }
  func.func @transform_1(%arg0: i32) -> (i32, i32) {
    %c0_i32 = arith.constant 0 : i32
    %c0_i32_0 = arith.constant 0 : i32
    return %arg0, %c0_i32 : i32, i32
  }
}

</mosaic_0001>

<sc_bundles>
// kernel: kernel.5.cloned.1.call-start
scs
__scs_entry_jumppad:
0x0: {  	(pc) =	sbr.rel $0x88, $3  }
0x1: {  	(tag) =	ssettag $0x0;
	lr =	simm.s32 $0x1  }
0x2: {  	[smem:$0x3F9F] =	sst lr;
	_ =	strace $0xD0000000  }
0x3: {  	_ = 	snop  }
0x4: {  	_ = 	snop  }
0x5: {  	_ = 	snop  }
0x6: {  	_ = 	snop  }
0x7: {  	_ = 	snop  }
__scs_overlays_trampoline_lowered:
0x8: {  	[smem:$0x3FAE] =	sst s0  }
0x9: {  	[smem:$0x3FAF] =	sst s1  }
0xa: {  	[smem:$0x3FB0] =	sst s2  }
0xb: {  	[smem:$0x3FB1] =	sst s3  }
0xc: {  	[smem:$0x3FB2] =	sst s4  }
0xd: {  	[smem:$0x3FB3] =	sst s5  }
0xe: {  	[smem:$0x3FB4] =	sst s6  }
0xf: {  	[smem:$0x3FB5] =	sst s7  }
0x10: {  	[smem:$0x3FB6] =	sst s8  }
0x11: {  	[smem:$0x3FB7] =	sst s9;
	s0 =	simm.s32 @!p0 $0x0  }
0x12: {  	s1 =	sld [smem:$0x3F9D];
	s0 =	simm.s32 @p0 $0x1  }
0x13: {  	[smem:$0x3FB8] =	sst s0;
	s0 =	simm.s32 @!p1 $0x0  }
0x14: {  	s2 =	sld [smem:$0x3F9C];
	s0 =	simm.s32 @p1 $0x1  }
0x15: {  	[smem:$0x3FB9] =	sst s0;
	s0 =	simm.s32 @!p2 $0x0  }
0x16: {  	s3 =	sld [smem:$0x3FDB];
	s0 =	simm.s32 @p2 $0x1  }
0x17: {  	s4 =	simm.s32 $0x1BF5;
	[smem:$0x3FBB] =	sst s0  }
0x18: {  	s0 =	sld [smem:$0x3F9E];
	_ =	swait.ge [sflag:s4], $0x0  }
0x19: {  	s7 =	sld [smem:$0x3F9F]  }
0x1a: {  	s8 =	sadd.s32 $0xFFFFE003, lr  }
0x1b: {  	s9 =	sadd.s32 $0xFFFFFEF7, lr;
	s5 =	simm.s32 $0xFFFFFFFF;
	p2 =	slt.u32 s8, $0xFFFFF086  }
0x1c: {  	p1 =	slt.u32 s9, $0xF7A;
	s5 =	simm.s32 @!p2 $0x0  }
0x1d: {  	s5 =	simm.s32 @p1 $0x1;
	p0 =	seq.s32 s7, s2  }
0x1e: {  	s7 =	smul.u32 @!p0 $0xF7A, s2;
	p2 =	seq.s32 @!p0 s5, $0x0  }
0x1f: {  	s9 =	smul.u32 $0xF7A, s1;
	s8 =	simm.s32 @!p0 $0x1BF5;
	p2 =	por !p2, p0  }
0x20: {  	[sflag:s8] =	ssyncset.s32 @!p0 $0xFFFFF086;
	s6 =	sadd.s32 @!p0 s3, s7;
	s7 =	simm.s32 @!p0 $0x108  }
0x21: {  	s3 =	sadd.s32 s3, s9;
	s6 =	sadd.s32 @!p0 $0x88, s6;
	s7 =	simm.s32 @p2 $0x1082  }
0x22: {  	[simem:s7], [sflag:s8] =	dma.local @!p0 [hbm:s6], $0xF7A  }
0x23: {  	s9 =	sor.u32 $0xD0000000, s2;
	s6 =	simm.s32 $0x108;
	_ =	swait.ge @!p0 [sflag:s8], $0x0  }
0x24: {  	s3 =	sadd.s32 $0x88, s3;
	s6 =	simm.s32 @!p1 $0x1082;
	[sflag:s4] =	ssyncset.s32 $0xFFFFF086  }
0x25: {  	[simem:s6], [sflag:s4] =	dma.local [hbm:s3], $0xF7A  }
0x26: {  	[smem:$0x3F9F] =	sst s1;
	(tag) =	ssettag s2;
	_ =	strace s9  }
0x27: {  	s1 =	sld [smem:$0x3FAF]  }
0x28: {  	s2 =	sld [smem:$0x3FB0]  }
0x29: {  	s4 =	sld [smem:$0x3FB2]  }
0x2a: {  	p0 =	seq.s32 s5, $0x0;
	s5 =	sld [smem:$0x3FB3]  }
0x2b: {  	s6 =	sld [smem:$0x3FB4]  }
0x2c: {  	s7 =	sld [smem:$0x3FB5]  }
0x2d: {  	s3 =	simm.s32 $0x108;
	s8 =	sld [smem:$0x3FB6]  }
0x2e: {  	s3 =	simm.s32 @!p0 $0x1082;
	s9 =	sld [smem:$0x3FB7]  }
0x2f: {  	lr =	sadd.s32 s0, s3;
	s0 =	sld [smem:$0x3FAE]  }
0x30: {  	s3 =	sld [smem:$0x3FB1]  }
0x31: {  	[smem:$0x3FBA] =	sst s10  }
0x32: {  	s10 =	sld [smem:$0x3FB8];
	_ =	sdelay $0x3  }
0x33: {  	p0 =	seq.s32 s10, $0x1;
	s10 =	sld [smem:$0x3FBA];
	_ =	sdelay $0x3  }
0x34: {  	[smem:$0x3FBA] =	sst s10  }
0x35: {  	s10 =	sld [smem:$0x3FB9];
	_ =	sdelay $0x3  }
0x36: {  	p1 =	seq.s32 s10, $0x1;
	s10 =	sld [smem:$0x3FBA];
	_ =	sdelay $0x3  }
0x37: {  	[smem:$0x3FBA] =	sst s10  }
0x38: {  	s10 =	sld [smem:$0x3FBB]  }
0x39: {  	_ = 	snop;
	(pc) =	sbr.ind lr, $3  }
0x3a: {  	_ = 	snop  }
0x3b: {  	_ = 	snop  }
0x3c: {  	p2 =	seq.s32 s10, $0x1;
	s10 =	sld [smem:$0x3FBA]  }
0x3d: {  	_ =	shalt  }
0x3e: {  	_ =	shalt  }
0x3f: {  	_ =	shalt  }
0x40: {  	_ =	shalt  }
0x41: {  	_ =	shalt  }
0x42: {  	_ =	shalt  }
0x43: {  	_ =	shalt  }
0x44: {  	_ =	shalt  }
0x45: {  	_ =	shalt  }
0x46: {  	_ =	shalt  }
0x47: {  	_ =	shalt  }
0x48: {  	_ =	shalt  }
0x49: {  	_ =	shalt  }
0x4a: {  	_ =	shalt  }
0x4b: {  	_ =	shalt  }
0x4c: {  	_ =	shalt  }
0x4d: {  	_ =	shalt  }
0x4e: {  	_ =	shalt  }
0x4f: {  	_ =	shalt  }
0x50: {  	_ =	shalt  }
0x51: {  	_ =	shalt  }
0x52: {  	_ =	shalt  }
0x53: {  	_ =	shalt  }
0x54: {  	_ =	shalt  }
0x55: {  	_ =	shalt  }
0x56: {  	_ =	shalt  }
0x57: {  	_ =	shalt  }
0x58: {  	_ =	shalt  }
0x59: {  	_ =	shalt  }
0x5a: {  	_ =	shalt  }
0x5b: {  	_ =	shalt  }
0x5c: {  	_ =	shalt  }
0x5d: {  	_ =	shalt  }
0x5e: {  	_ =	shalt  }
0x5f: {  	_ =	shalt  }
0x60: {  	_ =	shalt  }
0x61: {  	_ =	shalt  }
0x62: {  	_ =	shalt  }
0x63: {  	_ =	shalt  }
0x64: {  	_ =	shalt  }
0x65: {  	_ =	shalt  }
0x66: {  	_ =	shalt  }
0x67: {  	_ =	shalt  }
0x68: {  	_ =	shalt  }
0x69: {  	_ =	shalt  }
0x6a: {  	_ =	shalt  }
0x6b: {  	_ =	shalt  }
0x6c: {  	_ =	shalt  }
0x6d: {  	_ =	shalt  }
0x6e: {  	_ =	shalt  }
0x6f: {  	_ =	shalt  }
0x70: {  	_ =	shalt  }
0x71: {  	_ =	shalt  }
0x72: {  	_ =	shalt  }
0x73: {  	_ =	shalt  }
0x74: {  	_ =	shalt  }
0x75: {  	_ =	shalt  }
0x76: {  	_ =	shalt  }
0x77: {  	_ =	shalt  }
0x78: {  	_ =	shalt  }
0x79: {  	_ =	shalt  }
0x7a: {  	_ =	shalt  }
0x7b: {  	_ =	shalt  }
0x7c: {  	_ =	shalt  }
0x7d: {  	_ =	shalt  }
0x7e: {  	_ =	shalt  }
0x7f: {  	_ =	shalt  }
0x80: {  	_ =	shalt  }
0x81: {  	_ =	shalt  }
0x82: {  	_ =	shalt  }
0x83: {  	_ =	shalt  }
0x84: {  	_ =	shalt  }
0x85: {  	_ =	shalt  }
0x86: {  	_ =	shalt  }
0x87: {  	_ =	shalt  }
.Lfunc_end0:
.L_simem_size_0:
called_computation_lowered:
.L_overlay_start_0:
0x88: {  	s2 =	sld [smem:$0x3FD9]  }
0x89: {  	s3 =	sld [smem:$0x3FFE];
	_ =	sdelay $0x1  }
0x8a: {  	s1 =	srdreg.scid  }
0x8b: {  	s0 =	sand.u32 $0x1, s1  }
0x8c: {  	s16 =	sshll.u32 s0, $0xA;
	s2 =	sadd.s32 s3, s2  }
0x8d: {  	s2 =	sadd.s32 s2, s16  }
0x8e: {  	[smem:$0x3FC6] =	sst s2  }
0x8f: {  	_ = 	snop  }
0x90: {  	(tm) =	ssettm $0x1  }
0x91: {  	s17 =	sld [smem:$0x3FFB];
	_ =	sdelay $0x3  }
0x92: {  	_ =	strace s17  }
0x93: {  	s2 =	sld [smem:$0x3FFC];
	_ =	sdelay $0x3  }
0x94: {  	_ =	strace s2  }
0x95: {  	s2 =	sld [smem:$0x3FFD];
	_ =	sdelay $0x3  }
0x96: {  	_ =	strace s2  }
0x97: {  	_ =	strace $0x8FFFFFFF  }
0x98: {  	s18 =	sld [smem:$0x3FDB];
	_ =	sdelay $0x1  }
0x99: {  	s19 =	simm.s32 $_scs_section_size  }
0x9a: {  	s4 =	simm.s32 $_size__tile_overlayer_lowered;
	s5 =	simm.s32 $_tile_overlayer_lowered  }
0x9b: {  	s22 =	simm.s32 $0x1BFF;
	s21 =	sshll.u32 s5, $0x1;
	s2 =	sadd.s32 s19, s18  }
0x9c: {  	s6 =	simm.s32 $0x0;
	s20 =	sshll.u32 s4, $0x1;
	s4 =	sadd.s32 s21, s2  }
0x9d: {  	[timem:s6], [sflag:s22] =	dma.local [hbm:s4], s20  }
0x9e: {  	_ =	swait.ge [sflag:s22], s20  }
0x9f: {  	s3 =	ssub.s32 $0x0, s20;
	[sflag:s22] =	ssyncset.done $0x0  }
0xa0: {  	[sflag:s22] =	ssyncadd.s32 s3;
	_ =	sdelay $0x1  }
0xa1: {  	s23 =	simm.s32 $0x1B8B  }
0xa2: {  	_ =	swait.ge [sflag:s23], $0x1  }
0xa3: {  	[sflag:s23] =	ssyncset.done $0x0  }
0xa4: {  	s25 =	simm.s32 $0x1B8E;
	s24 =	sld [smem:$0x3FFE];
	[sflag:s23] =	ssyncadd.s32 $0xFFFFFFFF  }
0xa5: {  	s26 =	simm.s32 $execute0_lowered;
	[smem:$0x3FD2] =	sst s25  }
0xa6: {  	s4 =	sshll.u32 s26, $0x1;
	_ =	strace $0x80000046;
	[dreg:$0x1] =	wrdreg $0xFFFFFFFF  }
0xa7: {  	s28 =	simm.s32 $_size_execute0_lowered;
	s2 =	sadd.s32 s2, s4;
	[dreg:$0x0] =	wrdreg $0x0  }
0xa8: {  	s4 =	sshll.u32 s28, $0x1;
	[dreg:$0x2] =	wrdreg s2  }
0xa9: {  	[dreg:$0x3] =	wrdreg s4  }
0xaa: {  	[dreg:$0x4] =	wrdreg $0xC0  }
0xab: {  	_ =	task [dreg:s6], $0x5FFFF  }
0xac: {  	[dreg:$0x1] =	wrdreg $0xFFFFFFFF  }
0xad: {  	[dreg:$0x0] =	wrdreg $0x60  }
0xae: {  	[dreg:$0x2] =	wrdreg s24  }
0xaf: {  	[dreg:$0x3] =	wrdreg $0x9  }
0xb0: {  	_ =	task.clear_ibuf [dreg:s6], $0x4FFFF;
	_ =	strace $0x90000046  }
0xb1: {  	s29 =	simm.s32 $0x9;
	_ =	strace $0x80000048  }
0xb2: {  	_ =	swait.ge [sflag:s29], $0x1  }
0xb3: {  	[sflag:s29] =	ssyncadd.s32 $0xFFFFFFFF  }
0xb4: {  	_ =	strace $0x90000048  }
0xb5: {  	_ =	sfence  }
0xb6: {  	s30 =	sld [smem:$0x0];
	_ =	sdelay $0x2  }
0xb7: {  	s31 =	sshll.u32 s1, $0xD;
	s1 =	sshrl.u32 s1, $0x2  }
0xb8: {  	s3 =	sand.u32 $0x4000, s31;
	s1 =	sadd.s32 s1, s30  }
0xb9: {  	s0 =	sor.u32 s3, s0;
	s1 =	sshll.u32 s1, $0x11  }
0xba: {  	s0 =	sor.u32 s1, s0  }
0xbb: {  	s0 =	sadd.s32 $0x8F2B, s0  }
0xbc: {  	[sflag:s0] =	ssyncadd.remote.s32 $0x1  }
0xbd: {  	_ =	sfence.sel $0xFFFF  }
0xbe: {  	[dreg:$0x0] =	wrdreg $0xFFFFFFFF;
	(pc) =	sbr.abs _section_cstart, $3  }
0xbf: {  	[dreg:$0x1] =	wrdreg $0xFFFFFFFF  }
0xc0: {  	_ =	task.clear_ibuf [dreg:s6], $0x2FFFF;
	_ =	strace $0x9FFFFFFF  }
0xc1: {  	(tm) =	ssettm $0x7FFFFFFF  }
tec
execute0_lowered:
.L_overlay_start_1:
0x0: {  	(tag) =	ssettag $0x1  }
0x1: {  	s0 =	srdreg.scid;
	s1 =	stileid.u32  }
0x2: {  	s4 =	rddreg [dreg:$0x0];
	s2 =	simm.s32 $0x0;
	s8 =	simm.s32 $0xC000  }
0x3: {  	s9 =	simm.s32 $0x2;
	s11 =	simm.s32 $0x80;
	s24 =	simm.s32 $0xC900  }
0x4: {  	s25 =	simm.s32 $0x9000;
	s28 =	simm.s32 $0x9800;
	s29 =	simm.s32 $0xCA00  }
0x5: {  	s30 =	simm.s32 $0xA000;
	s31 =	simm.s32 $0xCA80;
	s10 =	simm.s32 $0xB000  }
0x6: {  	s12 =	simm.s32 $0xCB80;
	s13 =	simm.s32 $0xB800;
	s14 =	simm.s32 $0x1  }
0x7: {  	s15 =	simm.s32 $0xD000;
	s16 =	simm.s32 $0xD400;
	s17 =	simm.s32 $0xD800  }
0x8: {  	s18 =	simm.s32 $0x0;
	s0 =	sand.u32 $0x1, s0;
	s1 =	sshll.u32 s1, $0x1  }
0x9: {  	[smem:$0x7FF] =	sst s2;
	s3 =	sadd.s32 $0x800, s4;
	s1 =	sor.u32 s0, s1  }
0xa: {  	_ =	strace $0x80000047;
	s0 =	ssub.s32 $0x2, s0;
	s5 =	smul.u32 $0x180, s1  }
.Ltmp0:
0xb: {  	s6 =	sshll.u32 s1, $0x7;
	s1 =	sshll.u32 s1, $0x4;
	(pc) =	sbr.rel .LBB2_1-.Ltmp0, $4  }
0xc: {  	s26 =	sshrl.u32 s0, $0x1;
	s6 =	sadd.s32 s6, s4;
	s1 =	sadd.s32 s1, s4  }
0xd: {  	s0 =	ssub.s32 s0, s26;
	s26 =	simm.s32 $0xC980;
	s5 =	sadd.s32 s5, s4  }
0xe: {  	v0 =	vlaneseq.u32;
	s7 =	smax.u32 s0, $0x1;
	s0 =	simm.s32 $0xCB00;
	s4 =	sadd.s32 $0xC1800, s5  }
0xf: {  	v1 =	vadd.s32 $0x1, v0;
	v2 =	vmul.u32 $0x10, v0;
	s5 =	sadd.s32 $0xC0800, s6;
	s6 =	sadd.s32 $0xC4800, s1;
	s1 =	simm.s32 $0xA800  }
.LBB2_12:
0x10: {  	s18 =	sadd.s32 $0x1, s18  }
0x11: {  	p0 =	sne.s32 s18, s7  }
.Ltmp1:
0x12: {  	_ = 	snop;
	(pc) =	sbr.rel @!p0 .LBB2_13-.Ltmp1, $4  }
0x13: {  	[hbm4b:s6+s2] =	stream.linear.scatter [tilespmem:s17], [sflag:$0x2], $0x80, $0x38;
	[tilespmem:$0xD880] =	vst v63  }
0x14: {  	_ =	swait.ge [sflag:s9], $0x80  }
0x15: {  	[sflag:s9] =	ssyncset.done $0x0  }
0x16: {  	[sflag:s9] =	ssyncadd.s32 $0xFFFFFF80  }
.LBB2_1:
0x17: {  	[tilespmem:s8], [sflag:$0x2] =	stream.linear.gather [hbm4b:s4+s2], $0xC00, $0x38;
	[tilespmem:$0xD880] =	vst v63  }
0x18: {  	_ =	swait.ge [sflag:s9], $0xC00  }
0x19: {  	[sflag:s9] =	ssyncset.done $0x0  }
0x1a: {  	s19 =	simm.s32 $0xCC00;
	[sflag:s9] =	ssyncadd.s32 $0xFFFFF400  }
0x1b: {  	[tilespmem:s19], [sflag:$0x2] =	stream.linear.gather [hbm4b:s5+s2], $0x400, $0x38;
	[tilespmem:$0xD880] =	vst v63  }
0x1c: {  	_ =	swait.ge [sflag:s9], $0x400  }
0x1d: {  	[sflag:s9] =	ssyncset.done $0x0  }
0x1e: {  	[sflag:s9] =	ssyncadd.s32 $0xFFFFFC00  }
0x1f: {  	[tilespmem:s2], [sflag:$0x1] =	stream.indirect.gather [hbm4b:s3+s11], $0x10, s8, s11, $0xb8;
	[tilespmem:$0xD880] =	vst v63  }
0x20: {  	s23 =	simm.s32 $0xC080;
	s20 =	simm.s32 $0x800  }
0x21: {  	[tilespmem:s20], [sflag:$0x1] =	stream.indirect.gather [hbm4b:s3+s11], $0x10, s23, s11, $0xb8;
	[tilespmem:$0xD880] =	vst v63  }
0x22: {  	s21 =	simm.s32 $0x1000;
	s20 =	simm.s32 $0xC100  }
0x23: {  	[tilespmem:s21], [sflag:$0x1] =	stream.indirect.gather [hbm4b:s3+s11], $0x10, s20, s11, $0xb8;
	[tilespmem:$0xD880] =	vst v63  }
0x24: {  	s22 =	simm.s32 $0xC180;
	s23 =	simm.s32 $0x1800  }
0x25: {  	[tilespmem:s23], [sflag:$0x1] =	stream.indirect.gather [hbm4b:s3+s11], $0x10, s22, s11, $0xb8;
	[tilespmem:$0xD880] =	vst v63  }
0x26: {  	s20 =	simm.s32 $0xC200;
	s21 =	simm.s32 $0x2000  }
0x27: {  	[tilespmem:s21], [sflag:$0x1] =	stream.indirect.gather [hbm4b:s3+s11], $0x10, s20, s11, $0xb8;
	[tilespmem:$0xD880] =	vst v63  }
0x28: {  	s22 =	simm.s32 $0xC280;
	s23 =	simm.s32 $0x2800  }
0x29: {  	[tilespmem:s23], [sflag:$0x1] =	stream.indirect.gather [hbm4b:s3+s11], $0x10, s22, s11, $0xb8;
	[tilespmem:$0xD880] =	vst v63  }
0x2a: {  	s20 =	simm.s32 $0xC300;
	s21 =	simm.s32 $0x3000  }
0x2b: {  	[tilespmem:s21], [sflag:$0x1] =	stream.indirect.gather [hbm4b:s3+s11], $0x10, s20, s11, $0xb8;
	[tilespmem:$0xD880] =	vst v63  }
0x2c: {  	s22 =	simm.s32 $0xC380;
	s23 =	simm.s32 $0x3800  }
0x2d: {  	[tilespmem:s23], [sflag:$0x1] =	stream.indirect.gather [hbm4b:s3+s11], $0x10, s22, s11, $0xb8;
	[tilespmem:$0xD880] =	vst v63  }
0x2e: {  	s20 =	simm.s32 $0xC400;
	s21 =	simm.s32 $0x4000  }
0x2f: {  	[tilespmem:s21], [sflag:$0x1] =	stream.indirect.gather [hbm4b:s3+s11], $0x10, s20, s11, $0xb8;
	[tilespmem:$0xD880] =	vst v63  }
0x30: {  	s22 =	simm.s32 $0xC480;
	s23 =	simm.s32 $0x4800  }
0x31: {  	[tilespmem:s23], [sflag:$0x1] =	stream.indirect.gather [hbm4b:s3+s11], $0x10, s22, s11, $0xb8;
	[tilespmem:$0xD880] =	vst v63  }
0x32: {  	s20 =	simm.s32 $0xC500;
	s21 =	simm.s32 $0x5000  }
0x33: {  	[tilespmem:s21], [sflag:$0x1] =	stream.indirect.gather [hbm4b:s3+s11], $0x10, s20, s11, $0xb8;
	[tilespmem:$0xD880] =	vst v63  }
0x34: {  	s22 =	simm.s32 $0xC580;
	s23 =	simm.s32 $0x5800  }
0x35: {  	[tilespmem:s23], [sflag:$0x1] =	stream.indirect.gather [hbm4b:s3+s11], $0x10, s22, s11, $0xb8;
	[tilespmem:$0xD880] =	vst v63  }
0x36: {  	s20 =	simm.s32 $0xC600;
	s21 =	simm.s32 $0x6000  }
0x37: {  	[tilespmem:s21], [sflag:$0x1] =	stream.indirect.gather [hbm4b:s3+s11], $0x10, s20, s11, $0xb8;
	[tilespmem:$0xD880] =	vst v63  }
0x38: {  	s22 =	simm.s32 $0xC680;
	s23 =	simm.s32 $0x6800  }
0x39: {  	[tilespmem:s23], [sflag:$0x1] =	stream.indirect.gather [hbm4b:s3+s11], $0x10, s22, s11, $0xb8;
	[tilespmem:$0xD880] =	vst v63  }
0x3a: {  	s20 =	simm.s32 $0xC700;
	s21 =	simm.s32 $0x7000  }
0x3b: {  	[tilespmem:s21], [sflag:$0x1] =	stream.indirect.gather [hbm4b:s3+s11], $0x10, s20, s11, $0xb8;
	[tilespmem:$0xD880] =	vst v63  }
0x3c: {  	s22 =	simm.s32 $0xC780;
	s23 =	simm.s32 $0x7800  }
0x3d: {  	[tilespmem:s23], [sflag:$0x1] =	stream.indirect.gather [hbm4b:s3+s11], $0x10, s22, s11, $0xb8;
	[tilespmem:$0xD880] =	vst v63  }
0x3e: {  	s20 =	simm.s32 $0xC800;
	s21 =	simm.s32 $0x8000  }
0x3f: {  	[tilespmem:s21], [sflag:$0x1] =	stream.indirect.gather [hbm4b:s3+s11], $0x10, s20, s11, $0xb8;
	[tilespmem:$0xD880] =	vst v63  }
0x40: {  	s22 =	simm.s32 $0xC880;
	s23 =	simm.s32 $0x8800  }
0x41: {  	[tilespmem:s23], [sflag:$0x1] =	stream.indirect.gather [hbm4b:s3+s11], $0x10, s22, s11, $0xb8;
	[tilespmem:$0xD880] =	vst v63  }
0x42: {  	_ = 	snop  }
0x43: {  	[tilespmem:s25], [sflag:$0x1] =	stream.indirect.gather [hbm4b:s3+s11], $0x10, s24, s11, $0xb8;
	[tilespmem:$0xD880] =	vst v63  }
0x44: {  	_ = 	snop  }
0x45: {  	[tilespmem:s28], [sflag:$0x1] =	stream.indirect.gather [hbm4b:s3+s11], $0x10, s26, s11, $0xb8;
	[tilespmem:$0xD880] =	vst v63  }
0x46: {  	_ = 	snop  }
0x47: {  	[tilespmem:s30], [sflag:$0x1] =	stream.indirect.gather [hbm4b:s3+s11], $0x10, s29, s11, $0xb8;
	[tilespmem:$0xD880] =	vst v63  }
0x48: {  	_ = 	snop  }
0x49: {  	[tilespmem:s1], [sflag:$0x1] =	stream.indirect.gather [hbm4b:s3+s11], $0x10, s31, s11, $0xb8;
	[tilespmem:$0xD880] =	vst v63  }
0x4a: {  	_ = 	snop  }
0x4b: {  	[tilespmem:s10], [sflag:$0x1] =	stream.indirect.gather [hbm4b:s3+s11], $0x10, s0, s11, $0xb8;
	[tilespmem:$0xD880] =	vst v63  }
0x4c: {  	_ = 	snop  }
0x4d: {  	[tilespmem:s13], [sflag:$0x1] =	stream.indirect.gather [hbm4b:s3+s11], $0x10, s12, s11, $0xb8;
	[tilespmem:$0xD880] =	vst v63  }
0x4e: {  	_ =	swait.ge [sflag:s14], $0x800  }
0x4f: {  	[sflag:s14] =	ssyncset.done $0x0  }
0x50: {  	[sflag:s14] =	ssyncadd.s32 $0xFFFFF800  }
0x51: {  	_ =	swait.ge [sflag:s14], $0x800  }
0x52: {  	[sflag:s14] =	ssyncset.done $0x0  }
0x53: {  	[sflag:s14] =	ssyncadd.s32 $0xFFFFF800  }
0x54: {  	_ =	swait.ge [sflag:s14], $0x800  }
0x55: {  	[sflag:s14] =	ssyncset.done $0x0  }
0x56: {  	[sflag:s14] =	ssyncadd.s32 $0xFFFFF800  }
0x57: {  	_ =	swait.ge [sflag:s14], $0x800  }
0x58: {  	[sflag:s14] =	ssyncset.done $0x0  }
0x59: {  	[sflag:s14] =	ssyncadd.s32 $0xFFFFF800  }
0x5a: {  	_ =	swait.ge [sflag:s14], $0x800  }
0x5b: {  	[sflag:s14] =	ssyncset.done $0x0  }
0x5c: {  	[sflag:s14] =	ssyncadd.s32 $0xFFFFF800  }
0x5d: {  	_ =	swait.ge [sflag:s14], $0x800  }
0x5e: {  	[sflag:s14] =	ssyncset.done $0x0  }
0x5f: {  	[sflag:s14] =	ssyncadd.s32 $0xFFFFF800  }
0x60: {  	_ =	swait.ge [sflag:s14], $0x800  }
0x61: {  	[sflag:s14] =	ssyncset.done $0x0  }
0x62: {  	[sflag:s14] =	ssyncadd.s32 $0xFFFFF800  }
0x63: {  	_ =	swait.ge [sflag:s14], $0x800  }
0x64: {  	[sflag:s14] =	ssyncset.done $0x0  }
0x65: {  	[sflag:s14] =	ssyncadd.s32 $0xFFFFF800  }
0x66: {  	_ =	swait.ge [sflag:s14], $0x800  }
0x67: {  	[sflag:s14] =	ssyncset.done $0x0  }
0x68: {  	[sflag:s14] =	ssyncadd.s32 $0xFFFFF800  }
0x69: {  	_ =	swait.ge [sflag:s14], $0x800  }
0x6a: {  	[sflag:s14] =	ssyncset.done $0x0  }
0x6b: {  	[sflag:s14] =	ssyncadd.s32 $0xFFFFF800  }
0x6c: {  	_ =	swait.ge [sflag:s14], $0x800  }
0x6d: {  	[sflag:s14] =	ssyncset.done $0x0  }
0x6e: {  	[sflag:s14] =	ssyncadd.s32 $0xFFFFF800  }
0x6f: {  	_ =	swait.ge [sflag:s14], $0x800  }
0x70: {  	[sflag:s14] =	ssyncset.done $0x0  }
0x71: {  	[sflag:s14] =	ssyncadd.s32 $0xFFFFF800  }
0x72: {  	_ =	swait.ge [sflag:s14], $0x800  }
0x73: {  	[sflag:s14] =	ssyncset.done $0x0  }
0x74: {  	[sflag:s14] =	ssyncadd.s32 $0xFFFFF800  }
0x75: {  	_ =	swait.ge [sflag:s14], $0x800  }
0x76: {  	[sflag:s14] =	ssyncset.done $0x0  }
0x77: {  	[sflag:s14] =	ssyncadd.s32 $0xFFFFF800  }
0x78: {  	_ =	swait.ge [sflag:s14], $0x800  }
0x79: {  	[sflag:s14] =	ssyncset.done $0x0  }
0x7a: {  	[sflag:s14] =	ssyncadd.s32 $0xFFFFF800  }
0x7b: {  	_ =	swait.ge [sflag:s14], $0x800  }
0x7c: {  	[sflag:s14] =	ssyncset.done $0x0  }
0x7d: {  	[sflag:s14] =	ssyncadd.s32 $0xFFFFF800  }
0x7e: {  	_ =	swait.ge [sflag:s14], $0x800  }
0x7f: {  	[sflag:s14] =	ssyncset.done $0x0  }
0x80: {  	[sflag:s14] =	ssyncadd.s32 $0xFFFFF800  }
0x81: {  	_ =	swait.ge [sflag:s14], $0x800  }
0x82: {  	[sflag:s14] =	ssyncset.done $0x0  }
0x83: {  	[sflag:s14] =	ssyncadd.s32 $0xFFFFF800  }
0x84: {  	_ =	swait.ge [sflag:s14], $0x800  }
0x85: {  	[sflag:s14] =	ssyncset.done $0x0  }
0x86: {  	[sflag:s14] =	ssyncadd.s32 $0xFFFFF800  }
0x87: {  	_ =	swait.ge [sflag:s14], $0x800  }
0x88: {  	[sflag:s14] =	ssyncset.done $0x0  }
0x89: {  	[sflag:s14] =	ssyncadd.s32 $0xFFFFF800  }
0x8a: {  	_ =	swait.ge [sflag:s14], $0x800  }
0x8b: {  	[sflag:s14] =	ssyncset.done $0x0  }
0x8c: {  	[sflag:s14] =	ssyncadd.s32 $0xFFFFF800  }
0x8d: {  	_ =	swait.ge [sflag:s14], $0x800  }
0x8e: {  	[sflag:s14] =	ssyncset.done $0x0  }
0x8f: {  	[sflag:s14] =	ssyncadd.s32 $0xFFFFF800  }
0x90: {  	_ =	swait.ge [sflag:s14], $0x800  }
0x91: {  	[sflag:s14] =	ssyncset.done $0x0  }
0x92: {  	[sflag:s14] =	ssyncadd.s32 $0xFFFFF800  }
0x93: {  	_ =	swait.ge [sflag:s14], $0x800  }
0x94: {  	[sflag:s14] =	ssyncset.done $0x0  }
0x95: {  	s19 =	simm.s32 $0x0;
	[sflag:s14] =	ssyncadd.s32 $0xFFFFF800  }
0x96: {  	v3 =	vld [tilespmem:s19+$0xCC00]  }
0x97: {  	s20 =	simm.s32 $0x180  }
0x98: {  	v4 =	vld [tilespmem:s20+$0xFFFFFE80]  }
0x99: {  	v5 =	vld [tilespmem:s20+$0xFFFFFE90];
	_ =	sdelay $0x1  }
0x9a: {  	v7 =	vld [tilespmem:s20+$0xFFFFFEA0];
	v6 =	vadd.s32 $0x8, v3  }
0x9b: {  	v8 =	vadd.s32 $0xFFFFFFF8, v3;
	vm0 =	vlt.s32 v3, v1;
	vm1 =	vgt.s32 v6, v0  }
0x9c: {  	v3 =	vld [tilespmem:s20+$0xFFFFFEB0];
	vm15 =	vgt.s32 v8, v0;
	vm1 =	vmand vm0, vm1  }
0x9d: {  	v5 =	vnsel vm15, $0x0, v5;
	v4 =	vnsel vm1, $0x0, v4  }
0x9e: {  	v9 =	vld [tilespmem:s20+$0xFFFFFEC0];
	v42 =	vmul.f32 v5, v5;
	v6 =	vadd.f32 $0.0e+00, v4;
	v4 =	vmul.f32 v4, v4  }
0x9f: {  	v7 =	vnsel vm1, $0x0, v7  }
0xa0: {  	v43 =	vld [tilespmem:s20+$0xFFFFFED0];
	v5 =	vadd.f32 v6, v5;
	v4 =	vadd.f32 v4, v42;
	v6 =	vmul.f32 v7, v7  }
0xa1: {  	v3 =	vnsel vm15, $0x0, v3  }
0xa2: {  	v5 =	vadd.f32 v5, v7;
	v4 =	vadd.f32 v4, v6;
	v6 =	vmul.f32 v3, v3;
	v7 =	vld [tilespmem:s20+$0xFFFFFEE0]  }
0xa3: {  	v9 =	vnsel vm1, $0x0, v9  }
0xa4: {  	v3 =	vadd.f32 v5, v3;
	v4 =	vadd.f32 v4, v6;
	v5 =	vmul.f32 v9, v9;
	v6 =	vld [tilespmem:s20+$0xFFFFFEF0]  }
0xa5: {  	v8 =	vnsel vm15, $0x0, v43  }
0xa6: {  	v44 =	vld [tilespmem:s20+$0xFFFFFF00];
	v3 =	vadd.f32 v3, v9;
	v4 =	vadd.f32 v4, v5;
	v5 =	vmul.f32 v8, v8  }
0xa7: {  	v7 =	vnsel vm1, $0x0, v7  }
0xa8: {  	v45 =	vld [tilespmem:s20+$0xFFFFFF10];
	v3 =	vadd.f32 v3, v8;
	v4 =	vadd.f32 v4, v5;
	v5 =	vmul.f32 v7, v7  }
0xa9: {  	v6 =	vnsel vm15, $0x0, v6  }
0xaa: {  	v3 =	vadd.f32 v3, v7;
	v4 =	vadd.f32 v4, v5;
	v5 =	vmul.f32 v6, v6;
	v7 =	vld [tilespmem:s20+$0xFFFFFF20]  }
0xab: {  	v9 =	vnsel vm1, $0x0, v44  }
0xac: {  	v3 =	vadd.f32 v3, v6;
	v4 =	vadd.f32 v4, v5;
	v5 =	vmul.f32 v9, v9;
	v6 =	vld [tilespmem:s20+$0xFFFFFF30]  }
0xad: {  	v8 =	vnsel vm15, $0x0, v45  }
0xae: {  	v46 =	vld [tilespmem:s20+$0xFFFFFF40];
	v3 =	vadd.f32 v3, v9;
	v4 =	vadd.f32 v4, v5;
	v5 =	vmul.f32 v8, v8  }
0xaf: {  	v7 =	vnsel vm1, $0x0, v7  }
0xb0: {  	v47 =	vld [tilespmem:s20+$0xFFFFFF50];
	v3 =	vadd.f32 v3, v8;
	v4 =	vadd.f32 v4, v5;
	v5 =	vmul.f32 v7, v7  }
0xb1: {  	v6 =	vnsel vm15, $0x0, v6  }
0xb2: {  	v3 =	vadd.f32 v3, v7;
	v4 =	vadd.f32 v4, v5;
	v5 =	vmul.f32 v6, v6;
	v7 =	vld [tilespmem:s20+$0xFFFFFF60]  }
0xb3: {  	v9 =	vnsel vm1, $0x0, v46  }
0xb4: {  	v3 =	vadd.f32 v3, v6;
	v4 =	vadd.f32 v4, v5;
	v5 =	vmul.f32 v9, v9;
	v6 =	vld [tilespmem:s20+$0xFFFFFF70]  }
0xb5: {  	v8 =	vnsel vm15, $0x0, v47  }
0xb6: {  	v48 =	vld [tilespmem:s20+$0xFFFFFF80];
	v3 =	vadd.f32 v3, v9;
	v4 =	vadd.f32 v4, v5;
	v5 =	vmul.f32 v8, v8  }
0xb7: {  	v7 =	vnsel vm1, $0x0, v7  }
0xb8: {  	v49 =	vld [tilespmem:s20+$0xFFFFFF90];
	v3 =	vadd.f32 v3, v8;
	v4 =	vadd.f32 v4, v5;
	v5 =	vmul.f32 v7, v7  }
0xb9: {  	v6 =	vnsel vm15, $0x0, v6  }
0xba: {  	v3 =	vadd.f32 v3, v7;
	v4 =	vadd.f32 v4, v5;
	v5 =	vmul.f32 v6, v6;
	v7 =	vld [tilespmem:s20+$0xFFFFFFA0]  }
0xbb: {  	v9 =	vnsel vm1, $0x0, v48  }
0xbc: {  	v3 =	vadd.f32 v3, v6;
	v4 =	vadd.f32 v4, v5;
	v5 =	vmul.f32 v9, v9;
	v6 =	vld [tilespmem:s20+$0xFFFFFFB0]  }
0xbd: {  	v8 =	vnsel vm15, $0x0, v49  }
0xbe: {  	v50 =	vld [tilespmem:s20+$0xFFFFFFC0];
	v3 =	vadd.f32 v3, v9;
	v4 =	vadd.f32 v4, v5;
	v5 =	vmul.f32 v8, v8  }
0xbf: {  	v7 =	vnsel vm1, $0x0, v7  }
0xc0: {  	v51 =	vld [tilespmem:s20+$0xFFFFFFD0];
	v3 =	vadd.f32 v3, v8;
	v4 =	vadd.f32 v4, v5;
	v5 =	vmul.f32 v7, v7  }
0xc1: {  	v6 =	vnsel vm15, $0x0, v6  }
0xc2: {  	v3 =	vadd.f32 v3, v7;
	v4 =	vadd.f32 v4, v5;
	v5 =	vmul.f32 v6, v6;
	v7 =	vld [tilespmem:s20+$0xFFFFFFE0]  }
0xc3: {  	v9 =	vnsel vm1, $0x0, v50  }
0xc4: {  	v3 =	vadd.f32 v3, v6;
	v4 =	vadd.f32 v4, v5;
	v5 =	vmul.f32 v9, v9;
	v6 =	vld [tilespmem:s20+$0xFFFFFFF0]  }
0xc5: {  	v8 =	vnsel vm15, $0x0, v51  }
0xc6: {  	v52 =	vld [tilespmem:s20+$0x0];
	v3 =	vadd.f32 v3, v9;
	v4 =	vadd.f32 v4, v5;
	v5 =	vmul.f32 v8, v8  }
0xc7: {  	v7 =	vnsel vm1, $0x0, v7  }
0xc8: {  	v53 =	vld [tilespmem:s20+$0x10];
	v3 =	vadd.f32 v3, v8;
	v4 =	vadd.f32 v4, v5;
	v5 =	vmul.f32 v7, v7  }
0xc9: {  	v6 =	vnsel vm15, $0x0, v6  }
0xca: {  	v3 =	vadd.f32 v3, v7;
	v4 =	vadd.f32 v4, v5;
	v5 =	vmul.f32 v6, v6;
	v7 =	vld [tilespmem:s20+$0x20]  }
0xcb: {  	v9 =	vnsel vm1, $0x0, v52  }
0xcc: {  	v3 =	vadd.f32 v3, v6;
	v4 =	vadd.f32 v4, v5;
	v5 =	vmul.f32 v9, v9;
	v6 =	vld [tilespmem:s20+$0x30]  }
0xcd: {  	v8 =	vnsel vm15, $0x0, v53  }
0xce: {  	v54 =	vld [tilespmem:s20+$0x40];
	v3 =	vadd.f32 v3, v9;
	v4 =	vadd.f32 v4, v5;
	v5 =	vmul.f32 v8, v8  }
0xcf: {  	v7 =	vnsel vm1, $0x0, v7  }
0xd0: {  	v55 =	vld [tilespmem:s20+$0x50];
	v3 =	vadd.f32 v3, v8;
	v4 =	vadd.f32 v4, v5;
	v5 =	vmul.f32 v7, v7  }
0xd1: {  	v6 =	vnsel vm15, $0x0, v6  }
0xd2: {  	v3 =	vadd.f32 v3, v7;
	v4 =	vadd.f32 v4, v5;
	v5 =	vmul.f32 v6, v6;
	v7 =	vld [tilespmem:s20+$0x60]  }
0xd3: {  	v9 =	vnsel vm1, $0x0, v54  }
0xd4: {  	v3 =	vadd.f32 v3, v6;
	v4 =	vadd.f32 v4, v5;
	v5 =	vmul.f32 v9, v9;
	v6 =	vld [tilespmem:s20+$0x70]  }
0xd5: {  	v8 =	vnsel vm15, $0x0, v55  }
0xd6: {  	v56 =	vld [tilespmem:s20+$0x80];
	v3 =	vadd.f32 v3, v9;
	v4 =	vadd.f32 v4, v5;
	v5 =	vmul.f32 v8, v8  }
0xd7: {  	v7 =	vnsel vm1, $0x0, v7  }
0xd8: {  	v57 =	vld [tilespmem:s20+$0x90];
	v3 =	vadd.f32 v3, v8;
	v4 =	vadd.f32 v4, v5;
	v5 =	vmul.f32 v7, v7  }
0xd9: {  	v6 =	vnsel vm15, $0x0, v6  }
0xda: {  	v3 =	vadd.f32 v3, v7;
	v4 =	vadd.f32 v4, v5;
	v5 =	vmul.f32 v6, v6;
	v7 =	vld [tilespmem:s20+$0xA0]  }
0xdb: {  	v9 =	vnsel vm1, $0x0, v56  }
0xdc: {  	v3 =	vadd.f32 v3, v6;
	v4 =	vadd.f32 v4, v5;
	v5 =	vmul.f32 v9, v9;
	v6 =	vld [tilespmem:s20+$0xB0]  }
0xdd: {  	v8 =	vnsel vm15, $0x0, v57  }
0xde: {  	v58 =	vld [tilespmem:s20+$0xC0];
	v3 =	vadd.f32 v3, v9;
	v4 =	vadd.f32 v4, v5;
	v5 =	vmul.f32 v8, v8  }
0xdf: {  	v7 =	vnsel vm1, $0x0, v7  }
0xe0: {  	v59 =	vld [tilespmem:s20+$0xD0];
	v3 =	vadd.f32 v3, v8;
	v4 =	vadd.f32 v4, v5;
	v5 =	vmul.f32 v7, v7  }
0xe1: {  	v6 =	vnsel vm15, $0x0, v6  }
0xe2: {  	v3 =	vadd.f32 v3, v7;
	v4 =	vadd.f32 v4, v5;
	v5 =	vmul.f32 v6, v6;
	v7 =	vld [tilespmem:s20+$0xE0]  }
0xe3: {  	v9 =	vnsel vm1, $0x0, v58  }
0xe4: {  	v3 =	vadd.f32 v3, v6;
	v4 =	vadd.f32 v4, v5;
	v5 =	vmul.f32 v9, v9;
	v6 =	vld [tilespmem:s20+$0xF0]  }
0xe5: {  	v8 =	vnsel vm15, $0x0, v59  }
0xe6: {  	v60 =	vld [tilespmem:s20+$0x100];
	v3 =	vadd.f32 v3, v9;
	v4 =	vadd.f32 v4, v5;
	v5 =	vmul.f32 v8, v8  }
0xe7: {  	v7 =	vnsel vm1, $0x0, v7  }
0xe8: {  	v61 =	vld [tilespmem:s20+$0x110];
	v3 =	vadd.f32 v3, v8;
	v4 =	vadd.f32 v4, v5;
	v5 =	vmul.f32 v7, v7  }
0xe9: {  	v6 =	vnsel vm15, $0x0, v6  }
0xea: {  	v3 =	vadd.f32 v3, v7;
	v4 =	vadd.f32 v4, v5;
	v5 =	vmul.f32 v6, v6;
	v7 =	vld [tilespmem:s20+$0x120]  }
0xeb: {  	v9 =	vnsel vm1, $0x0, v60  }
0xec: {  	v3 =	vadd.f32 v3, v6;
	v4 =	vadd.f32 v4, v5;
	v5 =	vmul.f32 v9, v9;
	v6 =	vld [tilespmem:s20+$0x130]  }
0xed: {  	v8 =	vnsel vm15, $0x0, v61  }
0xee: {  	v62 =	vld [tilespmem:s20+$0x140];
	v3 =	vadd.f32 v3, v9;
	v4 =	vadd.f32 v4, v5;
	v5 =	vmul.f32 v8, v8  }
0xef: {  	v7 =	vnsel vm1, $0x0, v7  }
0xf0: {  	v63 =	vld [tilespmem:s20+$0x150];
	v3 =	vadd.f32 v3, v8;
	v4 =	vadd.f32 v4, v5;
	v5 =	vmul.f32 v7, v7  }
0xf1: {  	v6 =	vnsel vm15, $0x0, v6  }
0xf2: {  	v3 =	vadd.f32 v3, v7;
	v4 =	vadd.f32 v4, v5;
	v5 =	vmul.f32 v6, v6;
	v7 =	vld [tilespmem:s20+$0x160]  }
0xf3: {  	v9 =	vnsel vm1, $0x0, v62  }
0xf4: {  	v3 =	vadd.f32 v3, v6;
	v4 =	vadd.f32 v4, v5;
	v5 =	vmul.f32 v9, v9;
	v6 =	vld [tilespmem:s20+$0x170]  }
0xf5: {  	v8 =	vnsel vm15, $0x0, v63  }
0xf6: {  	v3 =	vadd.f32 v3, v9;
	v4 =	vadd.f32 v4, v5;
	v5 =	vmul.f32 v8, v8  }
0xf7: {  	v7 =	vnsel vm1, $0x0, v7  }
0xf8: {  	v3 =	vadd.f32 v3, v8;
	v4 =	vadd.f32 v4, v5;
	v5 =	vmul.f32 v7, v7  }
0xf9: {  	v6 =	vnsel vm15, $0x0, v6  }
0xfa: {  	v3 =	vadd.f32 v3, v7;
	v4 =	vadd.f32 v4, v5;
	v7 =	vmul.f32 v6, v6  }
0xfb: {  	s23 =	simm.s32 $0x10  }
0xfc: {  	s21 =	simm.s32 $0x80;
	v5 =	vadd.f32 v3, v6;
	v3 =	vld [tilespmem:s23+$0xCC00];
	v4 =	vadd.f32 v4, v7  }
.LBB2_2:
0xfd: {  	p0 =	sne.s32 s21, $0xFC0  }
0xfe: {  	[tilespmem:s19+$0xD000] =	vst v5;
	s20 =	sadd.s32 $0x300, s20;
	s22 =	smov.u32 s21;
	s21 =	sadd.s32 $0x40, s21  }
0xff: {  	[tilespmem:s19+$0xD400] =	vst v4;
	s19 =	smov.u32 s23  }
0x100: {  	v4 =	vld [tilespmem:s20+$0xFFFFFE80]  }
0x101: {  	v5 =	vld [tilespmem:s20+$0xFFFFFE90]  }
0x102: {  	v6 =	vadd.s32 $0x8, v3;
	v7 =	vadd.s32 $0xFFFFFFF8, v3  }
0x103: {  	vm0 =	vlt.s32 v3, v1;
	vm1 =	vgt.s32 v6, v0;
	v3 =	vld [tilespmem:s20+$0xFFFFFEA0]  }
0x104: {  	vm1 =	vmand vm0, vm1  }
0x105: {  	vm0 =	vgt.s32 v7, v0;
	v4 =	vnsel vm1, $0x0, v4;
	v6 =	vld [tilespmem:s20+$0xFFFFFEB0]  }
0x106: {  	v5 =	vnsel vm0, $0x0, v5;
	v7 =	vadd.f32 $0.0e+00, v4  }
0x107: {  	v4 =	vmul.f32 v4, v4;
	v8 =	vmul.f32 v5, v5;
	v9 =	vld [tilespmem:s20+$0xFFFFFEC0]  }
0x108: {  	v5 =	vadd.f32 v7, v5;
	v3 =	vnsel vm1, $0x0, v3  }
0x109: {  	v4 =	vadd.f32 v4, v8;
	v7 =	vmul.f32 v3, v3;
	v8 =	vld [tilespmem:s20+$0xFFFFFED0]  }
0x10a: {  	v6 =	vnsel vm0, $0x0, v6;
	v3 =	vadd.f32 v5, v3  }
0x10b: {  	v4 =	vadd.f32 v4, v7;
	v5 =	vmul.f32 v6, v6;
	v7 =	vld [tilespmem:s20+$0xFFFFFEE0]  }
0x10c: {  	v3 =	vadd.f32 v3, v6;
	v6 =	vnsel vm1, $0x0, v9  }
0x10d: {  	v4 =	vadd.f32 v4, v5;
	v5 =	vmul.f32 v6, v6;
	v9 =	vld [tilespmem:s20+$0xFFFFFEF0]  }
0x10e: {  	v8 =	vnsel vm0, $0x0, v8;
	v3 =	vadd.f32 v3, v6  }
0x10f: {  	v4 =	vadd.f32 v4, v5;
	v5 =	vmul.f32 v8, v8;
	v6 =	vld [tilespmem:s20+$0xFFFFFF00]  }
0x110: {  	v3 =	vadd.f32 v3, v8;
	v7 =	vnsel vm1, $0x0, v7  }
0x111: {  	v4 =	vadd.f32 v4, v5;
	v5 =	vmul.f32 v7, v7;
	v8 =	vld [tilespmem:s20+$0xFFFFFF10]  }
0x112: {  	v9 =	vnsel vm0, $0x0, v9;
	v3 =	vadd.f32 v3, v7  }
0x113: {  	v4 =	vadd.f32 v4, v5;
	v5 =	vmul.f32 v9, v9;
	v7 =	vld [tilespmem:s20+$0xFFFFFF20]  }
0x114: {  	v3 =	vadd.f32 v3, v9;
	v6 =	vnsel vm1, $0x0, v6  }
0x115: {  	v4 =	vadd.f32 v4, v5;
	v5 =	vmul.f32 v6, v6;
	v9 =	vld [tilespmem:s20+$0xFFFFFF30]  }
0x116: {  	v8 =	vnsel vm0, $0x0, v8;
	v3 =	vadd.f32 v3, v6  }
0x117: {  	v4 =	vadd.f32 v4, v5;
	v5 =	vmul.f32 v8, v8;
	v6 =	vld [tilespmem:s20+$0xFFFFFF40]  }
0x118: {  	v3 =	vadd.f32 v3, v8;
	v7 =	vnsel vm1, $0x0, v7  }
0x119: {  	v4 =	vadd.f32 v4, v5;
	v5 =	vmul.f32 v7, v7;
	v8 =	vld [tilespmem:s20+$0xFFFFFF50]  }
0x11a: {  	v9 =	vnsel vm0, $0x0, v9;
	v3 =	vadd.f32 v3, v7  }
0x11b: {  	v4 =	vadd.f32 v4, v5;
	v5 =	vmul.f32 v9, v9;
	v7 =	vld [tilespmem:s20+$0xFFFFFF60]  }
0x11c: {  	v3 =	vadd.f32 v3, v9;
	v6 =	vnsel vm1, $0x0, v6  }
0x11d: {  	v4 =	vadd.f32 v4, v5;
	v5 =	vmul.f32 v6, v6;
	v9 =	vld [tilespmem:s20+$0xFFFFFF70]  }
0x11e: {  	v8 =	vnsel vm0, $0x0, v8;
	v3 =	vadd.f32 v3, v6  }
0x11f: {  	v4 =	vadd.f32 v4, v5;
	v5 =	vmul.f32 v8, v8;
	v6 =	vld [tilespmem:s20+$0xFFFFFF80]  }
0x120: {  	v3 =	vadd.f32 v3, v8;
	v7 =	vnsel vm1, $0x0, v7  }
0x121: {  	v4 =	vadd.f32 v4, v5;
	v5 =	vmul.f32 v7, v7;
	v8 =	vld [tilespmem:s20+$0xFFFFFF90]  }
0x122: {  	v9 =	vnsel vm0, $0x0, v9;
	v3 =	vadd.f32 v3, v7  }
0x123: {  	v4 =	vadd.f32 v4, v5;
	v5 =	vmul.f32 v9, v9;
	v7 =	vld [tilespmem:s20+$0xFFFFFFA0]  }
0x124: {  	v3 =	vadd.f32 v3, v9;
	v6 =	vnsel vm1, $0x0, v6  }
0x125: {  	v4 =	vadd.f32 v4, v5;
	v5 =	vmul.f32 v6, v6;
	v9 =	vld [tilespmem:s20+$0xFFFFFFB0]  }
0x126: {  	v8 =	vnsel vm0, $0x0, v8;
	v3 =	vadd.f32 v3, v6  }
0x127: {  	v4 =	vadd.f32 v4, v5;
	v5 =	vmul.f32 v8, v8;
	v6 =	vld [tilespmem:s20+$0xFFFFFFC0]  }
0x128: {  	v3 =	vadd.f32 v3, v8;
	v7 =	vnsel vm1, $0x0, v7  }
0x129: {  	v4 =	vadd.f32 v4, v5;
	v5 =	vmul.f32 v7, v7;
	v8 =	vld [tilespmem:s20+$0xFFFFFFD0]  }
0x12a: {  	v9 =	vnsel vm0, $0x0, v9;
	v3 =	vadd.f32 v3, v7  }
0x12b: {  	v4 =	vadd.f32 v4, v5;
	v5 =	vmul.f32 v9, v9;
	v7 =	vld [tilespmem:s20+$0xFFFFFFE0]  }
0x12c: {  	v3 =	vadd.f32 v3, v9;
	v6 =	vnsel vm1, $0x0, v6  }
0x12d: {  	v4 =	vadd.f32 v4, v5;
	v5 =	vmul.f32 v6, v6;
	v9 =	vld [tilespmem:s20+$0xFFFFFFF0]  }
0x12e: {  	v8 =	vnsel vm0, $0x0, v8;
	v3 =	vadd.f32 v3, v6  }
0x12f: {  	v4 =	vadd.f32 v4, v5;
	v5 =	vmul.f32 v8, v8;
	v6 =	vld [tilespmem:s20+$0x0]  }
0x130: {  	v3 =	vadd.f32 v3, v8;
	v7 =	vnsel vm1, $0x0, v7  }
0x131: {  	v4 =	vadd.f32 v4, v5;
	v5 =	vmul.f32 v7, v7;
	v8 =	vld [tilespmem:s20+$0x10]  }
0x132: {  	v9 =	vnsel vm0, $0x0, v9;
	v3 =	vadd.f32 v3, v7  }
0x133: {  	v4 =	vadd.f32 v4, v5;
	v5 =	vmul.f32 v9, v9;
	v7 =	vld [tilespmem:s20+$0x20]  }
0x134: {  	v3 =	vadd.f32 v3, v9;
	v6 =	vnsel vm1, $0x0, v6  }
0x135: {  	v4 =	vadd.f32 v4, v5;
	v5 =	vmul.f32 v6, v6;
	v9 =	vld [tilespmem:s20+$0x30]  }
0x136: {  	v8 =	vnsel vm0, $0x0, v8;
	v3 =	vadd.f32 v3, v6  }
0x137: {  	v4 =	vadd.f32 v4, v5;
	v5 =	vmul.f32 v8, v8;
	v6 =	vld [tilespmem:s20+$0x40]  }
0x138: {  	v3 =	vadd.f32 v3, v8;
	v7 =	vnsel vm1, $0x0, v7  }
0x139: {  	v4 =	vadd.f32 v4, v5;
	v5 =	vmul.f32 v7, v7;
	v8 =	vld [tilespmem:s20+$0x50]  }
0x13a: {  	v9 =	vnsel vm0, $0x0, v9;
	v3 =	vadd.f32 v3, v7  }
0x13b: {  	v4 =	vadd.f32 v4, v5;
	v5 =	vmul.f32 v9, v9;
	v7 =	vld [tilespmem:s20+$0x60]  }
0x13c: {  	v3 =	vadd.f32 v3, v9;
	v6 =	vnsel vm1, $0x0, v6  }
0x13d: {  	v4 =	vadd.f32 v4, v5;
	v5 =	vmul.f32 v6, v6;
	v9 =	vld [tilespmem:s20+$0x70]  }
0x13e: {  	v8 =	vnsel vm0, $0x0, v8;
	v3 =	vadd.f32 v3, v6  }
0x13f: {  	v4 =	vadd.f32 v4, v5;
	v5 =	vmul.f32 v8, v8;
	v6 =	vld [tilespmem:s20+$0x80]  }
0x140: {  	v3 =	vadd.f32 v3, v8;
	v7 =	vnsel vm1, $0x0, v7  }
0x141: {  	v4 =	vadd.f32 v4, v5;
	v5 =	vmul.f32 v7, v7;
	v8 =	vld [tilespmem:s20+$0x90]  }
0x142: {  	v9 =	vnsel vm0, $0x0, v9;
	v3 =	vadd.f32 v3, v7  }
0x143: {  	v4 =	vadd.f32 v4, v5;
	v5 =	vmul.f32 v9, v9;
	v7 =	vld [tilespmem:s20+$0xA0]  }
0x144: {  	v3 =	vadd.f32 v3, v9;
	v6 =	vnsel vm1, $0x0, v6  }
0x145: {  	v4 =	vadd.f32 v4, v5;
	v5 =	vmul.f32 v6, v6;
	v9 =	vld [tilespmem:s20+$0xB0]  }
0x146: {  	v8 =	vnsel vm0, $0x0, v8;
	v3 =	vadd.f32 v3, v6  }
0x147: {  	v4 =	vadd.f32 v4, v5;
	v5 =	vmul.f32 v8, v8;
	v6 =	vld [tilespmem:s20+$0xC0]  }
0x148: {  	v3 =	vadd.f32 v3, v8;
	v7 =	vnsel vm1, $0x0, v7  }
0x149: {  	v4 =	vadd.f32 v4, v5;
	v5 =	vmul.f32 v7, v7;
	v8 =	vld [tilespmem:s20+$0xD0]  }
0x14a: {  	v9 =	vnsel vm0, $0x0, v9;
	v3 =	vadd.f32 v3, v7  }
0x14b: {  	v4 =	vadd.f32 v4, v5;
	v5 =	vmul.f32 v9, v9;
	v7 =	vld [tilespmem:s20+$0xE0]  }
0x14c: {  	v3 =	vadd.f32 v3, v9;
	v6 =	vnsel vm1, $0x0, v6  }
0x14d: {  	v4 =	vadd.f32 v4, v5;
	v5 =	vmul.f32 v6, v6;
	v9 =	vld [tilespmem:s20+$0xF0]  }
0x14e: {  	v8 =	vnsel vm0, $0x0, v8;
	v3 =	vadd.f32 v3, v6  }
0x14f: {  	v4 =	vadd.f32 v4, v5;
	v5 =	vmul.f32 v8, v8;
	v6 =	vld [tilespmem:s20+$0x100]  }
0x150: {  	v3 =	vadd.f32 v3, v8;
	v7 =	vnsel vm1, $0x0, v7  }
0x151: {  	v4 =	vadd.f32 v4, v5;
	v5 =	vmul.f32 v7, v7;
	v8 =	vld [tilespmem:s20+$0x110]  }
0x152: {  	v9 =	vnsel vm0, $0x0, v9;
	v3 =	vadd.f32 v3, v7  }
0x153: {  	v4 =	vadd.f32 v4, v5;
	v5 =	vmul.f32 v9, v9;
	v7 =	vld [tilespmem:s20+$0x120]  }
0x154: {  	v3 =	vadd.f32 v3, v9;
	v6 =	vnsel vm1, $0x0, v6  }
0x155: {  	v4 =	vadd.f32 v4, v5;
	v5 =	vmul.f32 v6, v6;
	v9 =	vld [tilespmem:s20+$0x130]  }
0x156: {  	v8 =	vnsel vm0, $0x0, v8;
	v3 =	vadd.f32 v3, v6  }
0x157: {  	v4 =	vadd.f32 v4, v5;
	v5 =	vmul.f32 v8, v8;
	v6 =	vld [tilespmem:s20+$0x140]  }
0x158: {  	v3 =	vadd.f32 v3, v8;
	v7 =	vnsel vm1, $0x0, v7  }
0x159: {  	v4 =	vadd.f32 v4, v5;
	v5 =	vmul.f32 v7, v7;
	v8 =	vld [tilespmem:s20+$0x150]  }
0x15a: {  	v9 =	vnsel vm0, $0x0, v9;
	v3 =	vadd.f32 v3, v7  }
0x15b: {  	v4 =	vadd.f32 v4, v5;
	v5 =	vmul.f32 v9, v9;
	v7 =	vld [tilespmem:s20+$0x160]  }
0x15c: {  	v3 =	vadd.f32 v3, v9;
	v6 =	vnsel vm1, $0x0, v6  }
0x15d: {  	v4 =	vadd.f32 v4, v5;
	v5 =	vmul.f32 v6, v6;
	v9 =	vld [tilespmem:s20+$0x170]  }
0x15e: {  	v8 =	vnsel vm0, $0x0, v8;
	v3 =	vadd.f32 v3, v6  }
0x15f: {  	v4 =	vadd.f32 v4, v5;
	v5 =	vmul.f32 v8, v8  }
0x160: {  	v3 =	vadd.f32 v3, v8;
	v6 =	vnsel vm1, $0x0, v7  }
.Ltmp2:
0x161: {  	v4 =	vadd.f32 v4, v5;
	v5 =	vmul.f32 v6, v6;
	(pc) =	sbr.rel @p0 .LBB2_2-.Ltmp2, $4  }
0x162: {  	v7 =	vnsel vm0, $0x0, v9;
	v3 =	vadd.f32 v3, v6  }
0x163: {  	v4 =	vadd.f32 v4, v5;
	v6 =	vmul.f32 v7, v7  }
0x164: {  	s23 =	sshra.s32 s22, $0x2;
	v5 =	vadd.f32 v3, v7  }
0x165: {  	v3 =	vld [tilespmem:s23+$0xCC00];
	v4 =	vadd.f32 v4, v6  }
0x166: {  	[tilespmem:s19+$0xD000] =	vst v5  }
0x167: {  	s20 =	sadd.s32 $0x300, s20;
	[tilespmem:s19+$0xD400] =	vst v4  }
0x168: {  	v4 =	vld [tilespmem:s20+$0xFFFFFE80]  }
0x169: {  	v5 =	vld [tilespmem:s20+$0xFFFFFE90]  }
0x16a: {  	v6 =	vadd.s32 $0x8, v3  }
0x16b: {  	v23 =	vld [tilespmem:s20+$0xFFFFFEA0];
	vm0 =	vlt.s32 v3, v1;
	vm1 =	vgt.s32 v6, v0  }
0x16c: {  	v3 =	vadd.s32 $0xFFFFFFF8, v3;
	vm1 =	vmand vm0, vm1  }
0x16d: {  	v24 =	vld [tilespmem:s20+$0xFFFFFEB0];
	vm15 =	vgt.s32 v3, v0;
	v3 =	vnsel vm1, $0x0, v4  }
0x16e: {  	v5 =	vnsel vm15, $0x0, v5;
	v7 =	vadd.f32 $0.0e+00, v3  }
0x16f: {  	v9 =	vld [tilespmem:s20+$0xFFFFFEC0];
	v3 =	vmul.f32 v3, v3;
	v8 =	vmul.f32 v5, v5  }
0x170: {  	v6 =	vnsel vm1, $0x0, v23;
	v5 =	vadd.f32 v7, v5  }
0x171: {  	v26 =	vld [tilespmem:s20+$0xFFFFFED0];
	v25 =	vmul.f32 v6, v6;
	v3 =	vadd.f32 v3, v8  }
0x172: {  	v4 =	vnsel vm15, $0x0, v24;
	v5 =	vadd.f32 v5, v6  }
0x173: {  	v28 =	vld [tilespmem:s20+$0xFFFFFEE0];
	v27 =	vmul.f32 v4, v4;
	v3 =	vadd.f32 v3, v25  }
0x174: {  	v29 =	vnsel vm1, $0x0, v9;
	v4 =	vadd.f32 v5, v4  }
0x175: {  	v31 =	vld [tilespmem:s20+$0xFFFFFEF0];
	v30 =	vmul.f32 v29, v29;
	v3 =	vadd.f32 v3, v27  }
0x176: {  	v8 =	vnsel vm15, $0x0, v26;
	v4 =	vadd.f32 v4, v29  }
0x177: {  	v33 =	vld [tilespmem:s20+$0xFFFFFF00];
	v32 =	vmul.f32 v8, v8;
	v3 =	vadd.f32 v3, v30  }
0x178: {  	v7 =	vnsel vm1, $0x0, v28;
	v4 =	vadd.f32 v4, v8  }
0x179: {  	v35 =	vld [tilespmem:s20+$0xFFFFFF10];
	v34 =	vmul.f32 v7, v7;
	v3 =	vadd.f32 v3, v32  }
0x17a: {  	v9 =	vnsel vm15, $0x0, v31;
	v4 =	vadd.f32 v4, v7  }
0x17b: {  	v37 =	vld [tilespmem:s20+$0xFFFFFF20];
	v36 =	vmul.f32 v9, v9;
	v3 =	vadd.f32 v3, v34  }
0x17c: {  	v6 =	vnsel vm1, $0x0, v33;
	v4 =	vadd.f32 v4, v9  }
0x17d: {  	v39 =	vld [tilespmem:s20+$0xFFFFFF30];
	v38 =	vmul.f32 v6, v6;
	v3 =	vadd.f32 v3, v36  }
0x17e: {  	v8 =	vnsel vm15, $0x0, v35;
	v4 =	vadd.f32 v4, v6  }
0x17f: {  	v41 =	vld [tilespmem:s20+$0xFFFFFF40];
	v40 =	vmul.f32 v8, v8;
	v3 =	vadd.f32 v3, v38  }
0x180: {  	v7 =	vnsel vm1, $0x0, v37;
	v4 =	vadd.f32 v4, v8  }
0x181: {  	v43 =	vld [tilespmem:s20+$0xFFFFFF50];
	v42 =	vmul.f32 v7, v7;
	v3 =	vadd.f32 v3, v40  }
0x182: {  	v9 =	vnsel vm15, $0x0, v39;
	v4 =	vadd.f32 v4, v7  }
0x183: {  	v45 =	vld [tilespmem:s20+$0xFFFFFF60];
	v44 =	vmul.f32 v9, v9;
	v3 =	vadd.f32 v3, v42  }
0x184: {  	v6 =	vnsel vm1, $0x0, v41;
	v4 =	vadd.f32 v4, v9  }
0x185: {  	v47 =	vld [tilespmem:s20+$0xFFFFFF70];
	v46 =	vmul.f32 v6, v6;
	v3 =	vadd.f32 v3, v44  }
0x186: {  	v8 =	vnsel vm15, $0x0, v43;
	v4 =	vadd.f32 v4, v6  }
0x187: {  	v49 =	vld [tilespmem:s20+$0xFFFFFF80];
	v48 =	vmul.f32 v8, v8;
	v3 =	vadd.f32 v3, v46  }
0x188: {  	v7 =	vnsel vm1, $0x0, v45;
	v4 =	vadd.f32 v4, v8  }
0x189: {  	v51 =	vld [tilespmem:s20+$0xFFFFFF90];
	v50 =	vmul.f32 v7, v7;
	v3 =	vadd.f32 v3, v48  }
0x18a: {  	v9 =	vnsel vm15, $0x0, v47;
	v4 =	vadd.f32 v4, v7  }
0x18b: {  	v53 =	vld [tilespmem:s20+$0xFFFFFFA0];
	v52 =	vmul.f32 v9, v9;
	v3 =	vadd.f32 v3, v50  }
0x18c: {  	v6 =	vnsel vm1, $0x0, v49;
	v4 =	vadd.f32 v4, v9  }
0x18d: {  	v55 =	vld [tilespmem:s20+$0xFFFFFFB0];
	v54 =	vmul.f32 v6, v6;
	v3 =	vadd.f32 v3, v52  }
0x18e: {  	v8 =	vnsel vm15, $0x0, v51;
	v4 =	vadd.f32 v4, v6  }
0x18f: {  	v57 =	vld [tilespmem:s20+$0xFFFFFFC0];
	v56 =	vmul.f32 v8, v8;
	v3 =	vadd.f32 v3, v54  }
0x190: {  	v7 =	vnsel vm1, $0x0, v53;
	v4 =	vadd.f32 v4, v8  }
0x191: {  	v59 =	vld [tilespmem:s20+$0xFFFFFFD0];
	v58 =	vmul.f32 v7, v7;
	v3 =	vadd.f32 v3, v56  }
0x192: {  	v9 =	vnsel vm15, $0x0, v55;
	v4 =	vadd.f32 v4, v7  }
0x193: {  	v61 =	vld [tilespmem:s20+$0xFFFFFFE0];
	v60 =	vmul.f32 v9, v9;
	v3 =	vadd.f32 v3, v58  }
0x194: {  	v6 =	vnsel vm1, $0x0, v57;
	v4 =	vadd.f32 v4, v9  }
0x195: {  	v63 =	vld [tilespmem:s20+$0xFFFFFFF0];
	v62 =	vmul.f32 v6, v6;
	v3 =	vadd.f32 v3, v60  }
0x196: {  	v8 =	vnsel vm15, $0x0, v59;
	v4 =	vadd.f32 v4, v6  }
0x197: {  	v12 =	vld [tilespmem:s20+$0x0];
	v11 =	vmul.f32 v8, v8;
	v3 =	vadd.f32 v3, v62  }
0x198: {  	v7 =	vnsel vm1, $0x0, v61;
	v4 =	vadd.f32 v4, v8  }
0x199: {  	v14 =	vld [tilespmem:s20+$0x10];
	v13 =	vmul.f32 v7, v7;
	v3 =	vadd.f32 v3, v11  }
0x19a: {  	v9 =	vnsel vm15, $0x0, v63;
	v4 =	vadd.f32 v4, v7  }
0x19b: {  	v16 =	vld [tilespmem:s20+$0x20];
	v15 =	vmul.f32 v9, v9;
	v3 =	vadd.f32 v3, v13  }
0x19c: {  	v6 =	vnsel vm1, $0x0, v12;
	v4 =	vadd.f32 v4, v9  }
0x19d: {  	v18 =	vld [tilespmem:s20+$0x30];
	v17 =	vmul.f32 v6, v6;
	v3 =	vadd.f32 v3, v15  }
0x19e: {  	v8 =	vnsel vm15, $0x0, v14;
	v4 =	vadd.f32 v4, v6  }
0x19f: {  	v20 =	vld [tilespmem:s20+$0x40];
	v19 =	vmul.f32 v8, v8;
	v3 =	vadd.f32 v3, v17  }
0x1a0: {  	v7 =	vnsel vm1, $0x0, v16;
	v4 =	vadd.f32 v4, v8  }
0x1a1: {  	v22 =	vld [tilespmem:s20+$0x50];
	v21 =	vmul.f32 v7, v7;
	v3 =	vadd.f32 v3, v19  }
0x1a2: {  	v9 =	vnsel vm15, $0x0, v18;
	v4 =	vadd.f32 v4, v7  }
0x1a3: {  	v24 =	vld [tilespmem:s20+$0x60];
	v23 =	vmul.f32 v9, v9;
	v3 =	vadd.f32 v3, v21  }
0x1a4: {  	v6 =	vnsel vm1, $0x0, v20;
	v4 =	vadd.f32 v4, v9  }
0x1a5: {  	v26 =	vld [tilespmem:s20+$0x70];
	v25 =	vmul.f32 v6, v6;
	v3 =	vadd.f32 v3, v23  }
0x1a6: {  	v8 =	vnsel vm15, $0x0, v22;
	v4 =	vadd.f32 v4, v6  }
0x1a7: {  	v28 =	vld [tilespmem:s20+$0x80];
	v27 =	vmul.f32 v8, v8;
	v3 =	vadd.f32 v3, v25  }
0x1a8: {  	v7 =	vnsel vm1, $0x0, v24;
	v4 =	vadd.f32 v4, v8  }
0x1a9: {  	v30 =	vld [tilespmem:s20+$0x90];
	v29 =	vmul.f32 v7, v7;
	v3 =	vadd.f32 v3, v27  }
0x1aa: {  	v9 =	vnsel vm15, $0x0, v26;
	v4 =	vadd.f32 v4, v7  }
0x1ab: {  	v32 =	vld [tilespmem:s20+$0xA0];
	v31 =	vmul.f32 v9, v9;
	v3 =	vadd.f32 v3, v29  }
0x1ac: {  	v6 =	vnsel vm1, $0x0, v28;
	v4 =	vadd.f32 v4, v9  }
0x1ad: {  	v34 =	vld [tilespmem:s20+$0xB0];
	v33 =	vmul.f32 v6, v6;
	v3 =	vadd.f32 v3, v31  }
0x1ae: {  	v8 =	vnsel vm15, $0x0, v30;
	v4 =	vadd.f32 v4, v6  }
0x1af: {  	v36 =	vld [tilespmem:s20+$0xC0];
	v35 =	vmul.f32 v8, v8;
	v3 =	vadd.f32 v3, v33  }
0x1b0: {  	v7 =	vnsel vm1, $0x0, v32;
	v4 =	vadd.f32 v4, v8  }
0x1b1: {  	v38 =	vld [tilespmem:s20+$0xD0];
	v37 =	vmul.f32 v7, v7;
	v3 =	vadd.f32 v3, v35  }
0x1b2: {  	v9 =	vnsel vm15, $0x0, v34;
	v4 =	vadd.f32 v4, v7  }
0x1b3: {  	v40 =	vld [tilespmem:s20+$0xE0];
	v39 =	vmul.f32 v9, v9;
	v3 =	vadd.f32 v3, v37  }
0x1b4: {  	v6 =	vnsel vm1, $0x0, v36;
	v4 =	vadd.f32 v4, v9  }
0x1b5: {  	v42 =	vld [tilespmem:s20+$0xF0];
	v41 =	vmul.f32 v6, v6;
	v3 =	vadd.f32 v3, v39  }
0x1b6: {  	v8 =	vnsel vm15, $0x0, v38;
	v4 =	vadd.f32 v4, v6  }
0x1b7: {  	v44 =	vld [tilespmem:s20+$0x100];
	v43 =	vmul.f32 v8, v8;
	v3 =	vadd.f32 v3, v41  }
0x1b8: {  	v7 =	vnsel vm1, $0x0, v40;
	v4 =	vadd.f32 v4, v8  }
0x1b9: {  	v46 =	vld [tilespmem:s20+$0x110];
	v45 =	vmul.f32 v7, v7;
	v3 =	vadd.f32 v3, v43  }
0x1ba: {  	v9 =	vnsel vm15, $0x0, v42;
	v4 =	vadd.f32 v4, v7  }
0x1bb: {  	v48 =	vld [tilespmem:s20+$0x120];
	v47 =	vmul.f32 v9, v9;
	v3 =	vadd.f32 v3, v45  }
0x1bc: {  	v6 =	vnsel vm1, $0x0, v44;
	v4 =	vadd.f32 v4, v9  }
0x1bd: {  	v50 =	vld [tilespmem:s20+$0x130];
	v49 =	vmul.f32 v6, v6;
	v3 =	vadd.f32 v3, v47  }
0x1be: {  	v8 =	vnsel vm15, $0x0, v46;
	v4 =	vadd.f32 v4, v6  }
0x1bf: {  	v52 =	vld [tilespmem:s20+$0x140];
	v51 =	vmul.f32 v8, v8;
	v3 =	vadd.f32 v3, v49  }
0x1c0: {  	v7 =	vnsel vm1, $0x0, v48;
	v4 =	vadd.f32 v4, v8  }
0x1c1: {  	v54 =	vld [tilespmem:s20+$0x150];
	v53 =	vmul.f32 v7, v7;
	v3 =	vadd.f32 v3, v51  }
0x1c2: {  	v9 =	vnsel vm15, $0x0, v50;
	v4 =	vadd.f32 v4, v7  }
0x1c3: {  	v56 =	vld [tilespmem:s20+$0x160];
	v55 =	vmul.f32 v9, v9;
	v3 =	vadd.f32 v3, v53  }
0x1c4: {  	v6 =	vnsel vm1, $0x0, v52;
	v4 =	vadd.f32 v4, v9  }
0x1c5: {  	v58 =	vld [tilespmem:s20+$0x170];
	v57 =	vmul.f32 v6, v6;
	v3 =	vadd.f32 v3, v55  }
0x1c6: {  	v8 =	vnsel vm15, $0x0, v54;
	v4 =	vadd.f32 v4, v6  }
0x1c7: {  	v59 =	vmul.f32 v8, v8;
	v3 =	vadd.f32 v3, v57  }
0x1c8: {  	v60 =	vnsel vm1, $0x0, v56;
	v4 =	vadd.f32 v4, v8  }
0x1c9: {  	v61 =	vmul.f32 v60, v60;
	v3 =	vadd.f32 v3, v59  }
0x1ca: {  	v62 =	vnsel vm15, $0x0, v58;
	v4 =	vadd.f32 v4, v60  }
0x1cb: {  	v63 =	vmul.f32 v62, v62;
	v3 =	vadd.f32 v3, v61  }
0x1cc: {  	v4 =	vadd.f32 v4, v62  }
0x1cd: {  	v3 =	vadd.f32 v3, v63  }
0x1ce: {  	[tilespmem:s23+$0xD000] =	vst v4  }
0x1cf: {  	s19 =	simm.s32 $0x0;
	s20 =	simm.s32 $0x0;
	[tilespmem:s23+$0xD400] =	vst v3  }
.LBB2_4:
0x1d0: {  	p1 =	por $0x1, $0x1  }
.Ltmp3:
0x1d1: {  	_ = 	snop;
	(pc) =	sbr.rel @!p1 .LBB2_5-.Ltmp3, $3  }
0x1d2: {  	_ =	sdelay $0x1  }
0x1d3: {  	s21 =	sadd.s32 $0x0, s19  }
0x1d4: {  	v3 =	vimm.f32 $0.0e+00;
	p0 =	por $0x0, $0x0;
	v4 =	vor.u32 s21, v2  }
0x1d5: {  	p1 =	por $0x1, $0x1  }
.Ltmp4:
0x1d6: {  	_ = 	snop;
	(pc) =	sbr.rel @!p1 .LBB2_7-.Ltmp4, $3  }
0x1d7: {  	_ =	sdelay $0x1  }
0x1d8: {  	s22 =	sadd.s32 $0x1, s19  }
0x1d9: {  	v5 =	vld.idx.msk [tilespmem:v4+s15+$0x0], $0xffff;
	s21 =	simm.s32 $0x2;
	p0 =	por $0x1, $0x1;
	v6 =	vimm.f32 $0.0e+00;
	v4 =	vor.u32 s22, v2  }
.LBB2_8:
0x1da: {  	p1 =	sne.s32 s21, $0xF  }
.Ltmp5:
0x1db: {  	_ = 	snop;
	(pc) =	sbr.rel @p1 .LBB2_8-.Ltmp5, $3  }
0x1dc: {  	_ =	sdelay $0x1  }
0x1dd: {  	s22 =	sadd.s32 s21, s19;
	s21 =	sadd.s32 $0x1, s21;
	v6 =	vadd.f32 v5, v6;
	v5 =	vld.idx.msk [tilespmem:v4+s15+$0x0], $0xffff  }
0x1de: {  	v4 =	vor.u32 s22, v2  }
.LBB2_9:
0x1df: {  	_ =	sdelay $0x2  }
0x1e0: {  	s21 =	sadd.s32 $0x0, s19  }
0x1e1: {  	v4 =	vld.idx.msk [tilespmem:v4+s15+$0x0], $0xffff;
	v7 =	vor.u32 s21, v2;
	_ =	sdelay $0x1  }
0x1e2: {  	v5 =	vadd.f32 @p0 v5, v6;
	_ =	sdelay $0x1  }
0x1e3: {  	s22 =	sadd.s32 $0x1, s19;
	v5 =	vpsel p0, v5, v3  }
0x1e4: {  	s21 =	simm.s32 $0x2;
	v6 =	vor.u32 s22, v2;
	v4 =	vadd.f32 v4, v5;
	v5 =	vld.idx.msk [tilespmem:v7+s16+$0x0], $0xffff  }
.LBB2_10:
0x1e5: {  	p0 =	sne.s32 s21, $0xF  }
.Ltmp6:
0x1e6: {  	_ = 	snop;
	(pc) =	sbr.rel @p0 .LBB2_10-.Ltmp6, $3  }
0x1e7: {  	_ =	sdelay $0x1  }
0x1e8: {  	s22 =	sadd.s32 s21, s19;
	s21 =	sadd.s32 $0x1, s21;
	v3 =	vadd.f32 v5, v3;
	v5 =	vld.idx.msk [tilespmem:v6+s16+$0x0], $0xffff  }
0x1e9: {  	v6 =	vor.u32 s22, v2  }
0x1ea: {  	_ =	sdelay $0x3  }
0x1eb: {  	v6 =	vld.idx.msk [tilespmem:v6+s16+$0x0], $0xffff;
	_ =	sdelay $0x2  }
0x1ec: {  	v63 =	vmul.f32 $5.208333490e-03, v4;
	v3 =	vadd.f32 v5, v3;
	_ =	sdelay $0x1  }
0x1ed: {  	s21 =	sshll.u32 s20, $0x4;
	s20 =	sadd.s32 $0x1, s20;
	v4 =	vmul.f32 v63, v4;
	v3 =	vadd.f32 v6, v3  }
0x1ee: {  	p0 =	sne.s32 s20, $0x4  }
.Ltmp7:
0x1ef: {  	v3 =	vsub.f32 v3, v4;
	(pc) =	sbr.rel @p0 .LBB2_4-.Ltmp7, $4  }
.Ltmp8:
0x1f0: {  	_ = 	snop;
	(pc) =	sbr.rel @!p0 .LBB2_12-.Ltmp8, $4  }
0x1f1: {  	s21 =	sand.u32 $0x3FFFFFF0, s21;
	v3 =	vmul.f32 $5.235602150e-03, v3  }
0x1f2: {  	[tilespmem:s21+$0xD800] =	vst v63  }
0x1f3: {  	s19 =	sadd.s32 $0x100, s19;
	[tilespmem:s21+$0xD840] =	vst v3  }
0x1f4: {  	_ = 	snop  }
.LBB2_5:
.Ltmp9:
0x1f5: {  	(pc) =	sbr.rel .LBB2_9-.Ltmp9, $2  }
0x1f6: {  	_ =	sdelay $0x2  }
0x1f7: {  	v6 =	vimm.f32 $0.0e+00  }
.LBB2_7:
.Ltmp10:
0x1f8: {  	(pc) =	sbr.rel .LBB2_9-.Ltmp10, $2  }
0x1f9: {  	_ =	sdelay $0x2  }
0x1fa: {  	v6 =	vimm.f32 $0.0e+00  }
.LBB2_13:
0x1fb: {  	_ =	sfence.sel $0x180000  }
0x1fc: {  	[bflag:$0x0] =	sbarrier.arrive $0xFFFF  }
0x1fd: {  	_ =	strace $0x90000047  }
0x1fe: {  	s0 =	stileid.u32;
	[bflag:$0x2] =	sbarrier.arrive $0xFFFF  }
0x1ff: {  	p0 =	sne.s32 s0, $0x0;
	s0 =	rddreg [dreg:$0x1]  }
0x200: {  	s0 =	sadd.s32 @!p0 $0x100000, s0  }
0x201: {  	[sflag:s0] =	ssyncadd.tile.s32 @!p0 $0x1;
	_ =	shalt  }
.Lfunc_end2:
_tile_overlayer_lowered:
.L_overlay_start_2:
0x202: {  	(tag) =	ssettag $0x2  }
0x203: {  	s0 =	rddreg [dreg:$0x0];
	s2 =	stileid.u32  }
0x204: {  	s1 =	rddreg [dreg:$0x1];
	p0 =	sne.s32 s2, $0x0  }
0x205: {  	s3 =	rddreg [dreg:$0x2];
	[bflag:$0x3] =	sbarrier.arrive $0xFFFF;
	s2 =	simm.s32 @!p0 $0x1C02  }
0x206: {  	[timem:s3], [sflag:s2] =	dma.local @!p0 [hbm:s0], s1  }
0x207: {  	s0 =	simm.s32 @!p0 $0x2  }
0x208: {  	_ =	swait.ge @!p0 [sflag:s0], s1  }
0x209: {  	s1 =	ssub.s32 @!p0 $0x0, s1;
	[sflag:s0] =	ssyncset.done @!p0 $0x0  }
0x20a: {  	[sflag:s0] =	ssyncadd.s32 @!p0 s1  }
0x20b: {  	[bflag:$0x3] =	sbarrier.arrive $0xFFFF  }
0x20c: {  	_ =	shalt  }

</sc_bundles>
